<compile_context>
chip_gen: v7x
topology: tpu7x:2x2x1
jax: 0.10.2.dev20260603
libtpu: 0.0.44.dev20260713+nightly
codegen_flags: <defaults>
</compile_context>

<pallas_src>
import functools

import jax
import jax.numpy as jnp
from jax import lax
from jax.experimental import pallas as pl
from jax.experimental.pallas import tpu as pltpu
from jax.experimental.pallas import tpu_sc as plsc

N = 18688
E = 299008
EMBED = 256
NG = 768
NGSTART = N - NG
P = 48
LIN_ROWS = N * P // 128
ACC_ROWS = NG + 16
NW = 32
EPW = E // NW
VI = EPW // 16
CH = 128
NCHT = EPW // CH
ROWS_PER_TILE = NG // 16

_HI = jax.lax.Precision.HIGHEST
_H = jax.lax.Precision.DEFAULT

TYPE_BANDS = ((0, 6400, 0, 8), (6400, 14080, 8, 10),
              (14080, 17920, 18, 6), (17920, 18688, 24, 12))


def _aug_row(rows, t, coff, d, xt):
    pieces = [
        jnp.zeros((rows, coff), jnp.float32),
        xt,
        jnp.zeros((rows, 36 - coff - d + t), jnp.float32),
        jnp.ones((rows, 1), jnp.float32),
        jnp.zeros((rows, 3 - t), jnp.float32),
        jnp.ones((rows, 1), jnp.float32),
        jnp.zeros((rows, P - 41), jnp.float32),
    ]
    return jnp.concatenate([p for p in pieces if p.shape[1]], axis=1)


def _build_xaug(x0t, x1t, x2t, x3t):

    def body(x0_ref, x1_ref, x2_ref, x3_ref, out_ref):
        for t, (ref, band) in enumerate(zip((x0_ref, x1_ref, x2_ref, x3_ref),
                                            TYPE_BANDS)):
            lo, hi, coff, d = band
            rows = hi - lo
            xt = ref[...].T
            out_ref[pl.ds(lo, rows), :] = _aug_row(rows, t, coff, d, xt)

    return pl.pallas_call(
        body,
        out_shape=jax.ShapeDtypeStruct((N, P), jnp.float32),
    )(x0t, x1t, x2t, x3t)


def _sc_segment_sum(edge_index, x_aug, zeros48):
    mesh = plsc.VectorSubcoreMesh(core_axis_name="c", subcore_axis_name="s")

    @functools.partial(
        pl.kernel,
        out_type=jax.ShapeDtypeStruct((2, NG, P), jnp.float32),
        mesh=mesh,
        compiler_params=pltpu.CompilerParams(needs_layout_passes=False,
                                             use_tc_tiling_on_sc=False),
        scratch_types=[
            pltpu.VMEM((EPW,), jnp.int32),
            pltpu.VMEM((EPW,), jnp.int32),
            pltpu.VMEM((NCHT, CH), jnp.int32),
            pltpu.VMEM((NCHT, CH), jnp.int32),
            pltpu.VMEM((CH, P), jnp.float32),
            pltpu.VMEM((ROWS_PER_TILE, P), jnp.float32),
            pltpu.VMEM_SHARED((ACC_ROWS, P), jnp.float32),
            pltpu.SemaphoreType.DMA,
        ],
    )
    def k(ei_hbm, xaug_hbm, zeros_hbm, out_hbm,
          dstv, srcv, csrc, cld, rows, expbuf, acc, sem):
        c = lax.axis_index("c")
        s = lax.axis_index("s")
        wid = c * 16 + s
        rstart = s * ROWS_PER_TILE

        pltpu.sync_copy(zeros_hbm, expbuf)
        pltpu.sync_copy(expbuf, acc.at[pl.ds(rstart, ROWS_PER_TILE)])

        @pl.when(s == 0)
        def _():
            pltpu.sync_copy(expbuf.at[pl.ds(0, 16)], acc.at[pl.ds(NG, 16)])

        plsc.subcore_barrier()

        base = wid * EPW
        pltpu.sync_copy(ei_hbm.at[0].at[pl.ds(base, EPW)], srcv)
        pltpu.sync_copy(ei_hbm.at[1].at[pl.ds(base, EPW)], dstv)

        @plsc.parallel_loop(0, VI, unroll=8,
                            carry=jnp.zeros((16,), jnp.int32))
        def comp_loop(i, off_vec):
            d = dstv[pl.ds(i * 16, 16)]
            sv = srcv[pl.ds(i * 16, 16)]
            m = d >= NGSTART
            pos = off_vec + plsc.cumsum(m.astype(jnp.int32)) - 1
            prow = pos >> 7
            pcol = pos & (CH - 1)
            plsc.store_scatter(csrc, [prow, pcol], sv, mask=m)
            plsc.store_scatter(cld, [prow, pcol], d - NGSTART, mask=m)
            return off_vec + plsc.all_reduce_population_count(m)

        kcnt = jnp.max(comp_loop)
        kpad = ((kcnt + CH - 1) // CH) * CH

        def fill_body(t):
            idx = t + lax.iota(jnp.int32, 16)
            m = idx < kpad
            prow = idx >> 7
            pcol = idx & (CH - 1)
            plsc.store_scatter(csrc, [prow, pcol],
                               jnp.zeros((16,), jnp.int32), mask=m)
            plsc.store_scatter(cld, [prow, pcol],
                               jnp.full((16,), NG, jnp.int32), mask=m)
            return t + 16

        lax.while_loop(lambda t: t < kpad, fill_body, kcnt)

        def chunk_body(j, carry):
            pltpu.async_copy(xaug_hbm.at[csrc.at[j]], rows, sem).wait()
            pltpu.sync_copy(rows, acc.at[cld.at[j]], add=True)
            return carry

        lax.fori_loop(0, kpad // CH, chunk_body, jnp.int32(0))
        plsc.subcore_barrier()

        pltpu.sync_copy(acc.at[pl.ds(rstart, ROWS_PER_TILE)], expbuf)
        pltpu.sync_copy(expbuf, out_hbm.at[c].at[pl.ds(rstart, ROWS_PER_TILE)])

    return k(edge_index, x_aug, zeros48)


def _tc_tail(x3t, parts, W_aug, Wa, Wb, b_conv, wf_mean, wf_std,
             b_final, Wv_tiled, b_val, S):

    def body(x3_ref, parts_ref, waug_ref, wa_ref, wb_ref, bconv_ref,
             wfm_ref, wfs_ref, bfin_ref, wv_ref, bval_ref, s_ref,
             am_ref, sp_ref, val_ref):
        xgv = _aug_row(NG, 3, 24, 12, x3_ref[...].T)
        agg = (parts_ref[0] + parts_ref[1]).reshape(NG, P)
        waug = waug_ref[...]
        wa = wa_ref[...]
        wb = wb_ref[...]

        csel = (lax.broadcasted_iota(jnp.int32, (P, 1), 0) == 40).astype(jnp.float32)
        cnt = jax.lax.dot(agg, csel, precision=_HI)
        denom = jnp.maximum(cnt, 1.0)
        ind = (cnt > 0.0).astype(jnp.float32)

        wcb = jax.lax.dot(waug, wb, precision=_HI)
        wcab = jax.lax.dot(waug, wa - wb, precision=_HI)

        t1 = jax.lax.dot(agg / denom, wcb, precision=_H)
        t2 = jax.lax.dot(xgv, wcab, precision=_H) + bconv_ref[...]
        h2 = jnp.maximum(t1 + ind * t2, 0.0)
        skip = jax.lax.dot(xgv, waug, precision=_H)
        gen = jnp.concatenate([h2, skip], axis=1)

        am = jax.lax.dot(gen, wfm_ref[...], precision=_H) + bfin_ref[0, 0]
        am_ref[...] = am.reshape(NG // 6, 6).T
        spx = jax.lax.dot(gen, wfs_ref[...], precision=_H) + bfin_ref[0, 1]
        sp = jnp.maximum(spx, 0.0) + jnp.log(1.0 + jnp.exp(-jnp.abs(spx)))
        sp_ref[...] = sp.reshape(NG // 6, 6).T

        rowdots = jnp.sum(gen * wv_ref[...], axis=1, keepdims=True)
        val = jax.lax.dot(s_ref[...], rowdots, precision=_H) + bval_ref[0, 0]
        val_ref[...] = val.T

    return pl.pallas_call(
        body,
        out_shape=(
            jax.ShapeDtypeStruct((6, NG // 6), jnp.float32),
            jax.ShapeDtypeStruct((6, NG // 6), jnp.float32),
            jax.ShapeDtypeStruct((1, NG // 6), jnp.float32),
        ),
    )(x3t, parts, W_aug, Wa, Wb, b_conv, wf_mean, wf_std,
      b_final, Wv_tiled, b_val, S)


def kernel(x0, x1, x2, x3, edge_index, W_emb0, b_emb0, W_emb1, b_emb1,
           W_emb2, b_emb2, W_emb3, b_emb3, W_conv, b_conv, W_final, b_final,
           W_val, b_val):
    x_aug = _build_xaug(x0.T, x1.T, x2.T, x3.T)

    W_aug = jnp.concatenate([
        W_emb0, W_emb1, W_emb2, W_emb3,
        b_emb0[None], b_emb1[None], b_emb2[None], b_emb3[None],
        jnp.zeros((P - 40, EMBED), jnp.float32),
    ], axis=0)

    zeros48 = jnp.zeros((ROWS_PER_TILE, P), jnp.float32)
    parts = _sc_segment_sum(edge_index, x_aug, zeros48)

    Wa = W_conv[:EMBED]
    Wb = W_conv[EMBED:]
    wf_mean = W_final[:, 0:1]
    wf_std = W_final[:, 1:2]
    Wv_tiled = jnp.tile(W_val.reshape(6, 2 * EMBED), (NG // 6, 1))
    S = jnp.repeat(jnp.eye(NG // 6, dtype=jnp.float32), 6, axis=1)
    bfin2 = b_final.reshape(1, 2)
    bval2 = b_val.reshape(1, 1)

    am_t, sp_t, val_t = _tc_tail(
        x3.T, parts, W_aug, Wa, Wb, b_conv.reshape(1, EMBED),
        wf_mean, wf_std, bfin2, Wv_tiled, bval2, S)
    return (am_t.T, sp_t.T, val_t.T)

# --- scband reference (transcript-rebuilt; emitter-appended) ---
"""Pipeline reference for scband-graph-net-3023656976987 (READ-ONLY COPY).

The authoritative reference and input builder live on the scoring server;
editing this copy changes nothing except your own understanding.
"""

import jax, jax.numpy as jnp
import numpy as np

NUM_GRAPHS = 128
DIMS = [8, 10, 6, 12]
COUNTS = [6400, 7680, 3840, 768]
N = 18688
E = 299008
EMBED = 256
OUT_DIM = 2
N_GENS = 768


def setup_inputs(seed: int = 0) -> dict:
    key = jax.random.key(seed)
    ks = jax.random.split(key, 16)
    inp = {}
    for i, (c, d) in enumerate(zip(COUNTS, DIMS)):
        inp["x%d" % i] = jax.random.normal(ks[i], (c, d), dtype=jnp.float32)
    inp["edge_index"] = jax.random.randint(ks[4], (2, E), 0, N, dtype=jnp.int32)
    for i, d in enumerate(DIMS):
        inp["W_emb%d" % i] = jax.random.normal(ks[5 + i], (d, EMBED), dtype=jnp.float32) * (1.0 / np.sqrt(d))
        inp["b_emb%d" % i] = jnp.zeros((EMBED,), dtype=jnp.float32)
    inp["W_conv"] = jax.random.normal(ks[9], (2 * EMBED, EMBED), dtype=jnp.float32) * (1.0 / np.sqrt(2 * EMBED))
    inp["b_conv"] = jnp.zeros((EMBED,), dtype=jnp.float32)
    inp["W_final"] = jax.random.normal(ks[10], (2 * EMBED, OUT_DIM), dtype=jnp.float32) * 0.001
    inp["b_final"] = jnp.zeros((OUT_DIM,), dtype=jnp.float32)
    inp["W_val"] = jax.random.normal(ks[11], (2 * 6 * EMBED, 1), dtype=jnp.float32) * 0.001
    inp["b_val"] = jnp.zeros((1,), dtype=jnp.float32)
    return inp


def reference(x0, x1, x2, x3, edge_index, W_emb0, b_emb0, W_emb1, b_emb1, W_emb2, b_emb2, W_emb3, b_emb3, W_conv, b_conv, W_final, b_final, W_val, b_val):
    # per-node-type embedding (hetero -> homogeneous concatenation; gen nodes last)
    h = jnp.concatenate([
        x0 @ W_emb0 + b_emb0,
        x1 @ W_emb1 + b_emb1,
        x2 @ W_emb2 + b_emb2,
        x3 @ W_emb3 + b_emb3,
    ], axis=0)
    skip = h[N - N_GENS:]
    # EdgeConv with aggr='mean': h_i = mean_{j->i} nn([x_i, x_j - x_i])
    src = edge_index[0]
    dst = edge_index[1]
    msg = jnp.concatenate([h[dst], h[src] - h[dst]], axis=1) @ W_conv + b_conv
    s = jax.ops.segment_sum(msg, dst, num_segments=N)
    cnt = jax.ops.segment_sum(jnp.ones((E,), dtype=h.dtype), dst, num_segments=N)
    h2 = jax.nn.relu(s / jnp.maximum(cnt, 1.0)[:, None])
    gen = h2[N - N_GENS:]
    gen = jnp.concatenate([gen, skip], axis=1)
    value = gen.reshape(NUM_GRAPHS, -1) @ W_val + b_val
    action = gen @ W_final + b_final
    action_mean = action[:, 0].reshape(NUM_GRAPHS, -1)
    action_std = jax.nn.softplus(action[:, 1]).reshape(NUM_GRAPHS, -1)
    return (action_mean, action_std, value)

if __name__ == "__main__":
    import jax
    _d = setup_inputs()
    print(jax.jit(kernel)(*tuple(_d.values())))

</pallas_src>

<mosaic_0001>
#map = affine_map<(d0, d1) -> (0, 0)>
#map1 = affine_map<(d0, d1) -> (0, 0, 0)>
module attributes {stable_mosaic.version = 14 : i64} {
  func.func @k(%arg0: i32, %arg1: i32, %arg2: memref<2x299008xi32, #tpu.memory_space<hbm>>, %arg3: memref<18688x48xf32, #tpu.memory_space<hbm>>, %arg4: memref<48x48xf32, #tpu.memory_space<hbm>>, %arg5: memref<2x768x48xf32, #tpu.memory_space<hbm>>, %arg6: memref<9344xi32, #tpu.memory_space<vmem>>, %arg7: memref<9344xi32, #tpu.memory_space<vmem>>, %arg8: memref<73x128xi32, #tpu.memory_space<vmem>>, %arg9: memref<73x128xi32, #tpu.memory_space<vmem>>, %arg10: memref<128x48xf32, #tpu.memory_space<vmem>>, %arg11: memref<48x48xf32, #tpu.memory_space<vmem>>, %arg12: memref<784x48xf32, #tpu.memory_space<vmem_shared>>, %arg13: memref<!tpu.dma_semaphore, #tpu.memory_space<semaphore_mem>>) attributes {dimension_semantics = [#tpu.dimension_semantics<core_parallel>, #tpu.dimension_semantics<subcore_parallel>], iteration_bounds = array<i64: 2, 16>, scalar_prefetch = 0 : i64, scratch_operands = 8 : i64, tpu.core_type = #tpu.core_type<sc_vector_subcore>, window_params = [{transform_indices = #map}, {transform_indices = #map}, {transform_indices = #map}, {transform_indices = #map1}]} {
    %mul3A = arith.constant 16 : i32
    %mul3A_0 = arith.muli %arg0, %mul3A : i32
    %add3A = arith.addi %mul3A_0, %arg1 : i32
    %mul3A_1 = arith.constant 48 : i32
    %mul3A_2 = arith.muli %arg1, %mul3A_1 : i32
    "tpu.region"() ({
      %run_scoped3A_76 = tpu.sem_alloc : memref<!tpu.dma_semaphore, #tpu.memory_space<semaphore_mem>>
      tpu.enqueue_dma source(%arg4 : memref<48x48xf32, #tpu.memory_space<hbm>>) target(%arg11 : memref<48x48xf32, #tpu.memory_space<vmem>>) target_semaphore(%run_scoped3A_76 : memref<!tpu.dma_semaphore, #tpu.memory_space<semaphore_mem>>)
      tpu.wait_dma2 semaphore(%run_scoped3A_76 : memref<!tpu.dma_semaphore, #tpu.memory_space<semaphore_mem>>) src(%arg4 : memref<48x48xf32, #tpu.memory_space<hbm>>) dst(%arg11 : memref<48x48xf32, #tpu.memory_space<vmem>>)
      tpu.yield
    }) : () -> ()
    "tpu.region"() ({
      %run_scoped3A_76 = tpu.sem_alloc : memref<!tpu.dma_semaphore, #tpu.memory_space<semaphore_mem>>
      %dma_start3A = arith.constant 0 : i32
      %dma_start3A_77 = tpu.memref_slice %arg12[%mul3A_2, %dma_start3A] : memref<784x48xf32, #tpu.memory_space<vmem_shared>> -> memref<48x48xf32, #tpu.memory_space<vmem_shared>>
      %dma_start3A_78 = arith.constant 0 : i32
      %dma_start3A_79 = tpu.memref_slice %arg12[%mul3A_2, %dma_start3A_78] : memref<784x48xf32, #tpu.memory_space<vmem_shared>> -> memref<48x48xf32, #tpu.memory_space<vmem_shared>>
      tpu.enqueue_dma source(%arg11 : memref<48x48xf32, #tpu.memory_space<vmem>>) target(%dma_start3A_79 : memref<48x48xf32, #tpu.memory_space<vmem_shared>>) target_semaphore(%run_scoped3A_76 : memref<!tpu.dma_semaphore, #tpu.memory_space<semaphore_mem>>)
      %dma_wait3A = arith.constant 0 : i32
      %dma_wait3A_80 = tpu.memref_slice %arg12[%mul3A_2, %dma_wait3A] : memref<784x48xf32, #tpu.memory_space<vmem_shared>> -> memref<48x48xf32, #tpu.memory_space<vmem_shared>>
      %dma_wait3A_81 = arith.constant 0 : i32
      %dma_wait3A_82 = tpu.memref_slice %arg12[%mul3A_2, %dma_wait3A_81] : memref<784x48xf32, #tpu.memory_space<vmem_shared>> -> memref<48x48xf32, #tpu.memory_space<vmem_shared>>
      tpu.wait_dma2 semaphore(%run_scoped3A_76 : memref<!tpu.dma_semaphore, #tpu.memory_space<semaphore_mem>>) src(%arg11 : memref<48x48xf32, #tpu.memory_space<vmem>>) dst(%dma_wait3A_82 : memref<48x48xf32, #tpu.memory_space<vmem_shared>>)
      tpu.yield
    }) : () -> ()
    %eq3A = arith.constant 0 : i32
    %eq3A_3 = arith.cmpi eq, %arg1, %eq3A : i32
    %convert_element_type3A = arith.extui %eq3A_3 : i1 to i32
    %cond3A = arith.constant 0 : i32
    %cond3A_4 = arith.cmpi ne, %convert_element_type3A, %cond3A : i32
    scf.if %cond3A_4 {
      "tpu.region"() ({
        %run_scoped3A_76 = tpu.sem_alloc : memref<!tpu.dma_semaphore, #tpu.memory_space<semaphore_mem>>
        %dma_start3A = arith.constant 0 : i32
        %dma_start3A_77 = arith.constant 0 : i32
        %dma_start3A_78 = tpu.memref_slice %arg11[%dma_start3A, %dma_start3A_77] : memref<48x48xf32, #tpu.memory_space<vmem>> -> memref<16x48xf32, #tpu.memory_space<vmem>>
        %dma_start3A_79 = arith.constant 768 : i32
        %dma_start3A_80 = arith.constant 0 : i32
        %dma_start3A_81 = tpu.memref_slice %arg12[%dma_start3A_79, %dma_start3A_80] : memref<784x48xf32, #tpu.memory_space<vmem_shared>> -> memref<16x48xf32, #tpu.memory_space<vmem_shared>>
        %dma_start3A_82 = arith.constant 768 : i32
        %dma_start3A_83 = arith.constant 0 : i32
        %dma_start3A_84 = tpu.memref_slice %arg12[%dma_start3A_82, %dma_start3A_83] : memref<784x48xf32, #tpu.memory_space<vmem_shared>> -> memref<16x48xf32, #tpu.memory_space<vmem_shared>>
        %dma_start3A_85 = arith.constant 0 : i32
        %dma_start3A_86 = arith.constant 0 : i32
        %dma_start3A_87 = tpu.memref_slice %arg11[%dma_start3A_85, %dma_start3A_86] : memref<48x48xf32, #tpu.memory_space<vmem>> -> memref<16x48xf32, #tpu.memory_space<vmem>>
        tpu.enqueue_dma source(%dma_start3A_87 : memref<16x48xf32, #tpu.memory_space<vmem>>) target(%dma_start3A_84 : memref<16x48xf32, #tpu.memory_space<vmem_shared>>) target_semaphore(%run_scoped3A_76 : memref<!tpu.dma_semaphore, #tpu.memory_space<semaphore_mem>>)
        %dma_wait3A = arith.constant 0 : i32
        %dma_wait3A_88 = arith.constant 0 : i32
        %dma_wait3A_89 = tpu.memref_slice %arg11[%dma_wait3A, %dma_wait3A_88] : memref<48x48xf32, #tpu.memory_space<vmem>> -> memref<16x48xf32, #tpu.memory_space<vmem>>
        %dma_wait3A_90 = arith.constant 768 : i32
        %dma_wait3A_91 = arith.constant 0 : i32
        %dma_wait3A_92 = tpu.memref_slice %arg12[%dma_wait3A_90, %dma_wait3A_91] : memref<784x48xf32, #tpu.memory_space<vmem_shared>> -> memref<16x48xf32, #tpu.memory_space<vmem_shared>>
        %dma_wait3A_93 = arith.constant 768 : i32
        %dma_wait3A_94 = arith.constant 0 : i32
        %dma_wait3A_95 = tpu.memref_slice %arg12[%dma_wait3A_93, %dma_wait3A_94] : memref<784x48xf32, #tpu.memory_space<vmem_shared>> -> memref<16x48xf32, #tpu.memory_space<vmem_shared>>
        %dma_wait3A_96 = arith.constant 0 : i32
        %dma_wait3A_97 = arith.constant 0 : i32
        %dma_wait3A_98 = tpu.memref_slice %arg11[%dma_wait3A_96, %dma_wait3A_97] : memref<48x48xf32, #tpu.memory_space<vmem>> -> memref<16x48xf32, #tpu.memory_space<vmem>>
        tpu.wait_dma2 semaphore(%run_scoped3A_76 : memref<!tpu.dma_semaphore, #tpu.memory_space<semaphore_mem>>) src(%dma_wait3A_98 : memref<16x48xf32, #tpu.memory_space<vmem>>) dst(%dma_wait3A_95 : memref<16x48xf32, #tpu.memory_space<vmem_shared>>)
        tpu.yield
      }) : () -> ()
    } else {
    }
    %barrier3A = arith.constant 0 : index
    tpu.barrier barrier_id(%barrier3A)
    %mul3A_5 = arith.constant 9344 : i32
    %mul3A_6 = arith.muli %add3A, %mul3A_5 : i32
    %run_scoped3A = arith.constant 0 : i32
    "tpu.region"() ({
      %run_scoped3A_76 = tpu.sem_alloc : memref<!tpu.dma_semaphore, #tpu.memory_space<semaphore_mem>>
      %dma_start3A = arith.constant 0 : i32
      %dma_start3A_77 = tpu.memref_slice %arg2[%run_scoped3A, %dma_start3A] : memref<2x299008xi32, #tpu.memory_space<hbm>> -> memref<1x299008xi32, #tpu.memory_space<hbm>>
      %dma_start3A_78 = tpu.memref_squeeze %dma_start3A_77 : memref<1x299008xi32, #tpu.memory_space<hbm>> -> memref<299008xi32, #tpu.memory_space<hbm>>
      %dma_start3A_79 = tpu.memref_slice %dma_start3A_78[%mul3A_6] : memref<299008xi32, #tpu.memory_space<hbm>> -> memref<9344xi32, #tpu.memory_space<hbm>>
      %dma_start3A_80 = arith.constant 0 : i32
      %dma_start3A_81 = tpu.memref_slice %arg2[%run_scoped3A, %dma_start3A_80] : memref<2x299008xi32, #tpu.memory_space<hbm>> -> memref<1x299008xi32, #tpu.memory_space<hbm>>
      %dma_start3A_82 = tpu.memref_squeeze %dma_start3A_81 : memref<1x299008xi32, #tpu.memory_space<hbm>> -> memref<299008xi32, #tpu.memory_space<hbm>>
      %dma_start3A_83 = tpu.memref_slice %dma_start3A_82[%mul3A_6] : memref<299008xi32, #tpu.memory_space<hbm>> -> memref<9344xi32, #tpu.memory_space<hbm>>
      tpu.enqueue_dma source(%dma_start3A_83 : memref<9344xi32, #tpu.memory_space<hbm>>) target(%arg7 : memref<9344xi32, #tpu.memory_space<vmem>>) target_semaphore(%run_scoped3A_76 : memref<!tpu.dma_semaphore, #tpu.memory_space<semaphore_mem>>)
      %dma_wait3A = arith.constant 0 : i32
      %dma_wait3A_84 = tpu.memref_slice %arg2[%run_scoped3A, %dma_wait3A] : memref<2x299008xi32, #tpu.memory_space<hbm>> -> memref<1x299008xi32, #tpu.memory_space<hbm>>
      %dma_wait3A_85 = tpu.memref_squeeze %dma_wait3A_84 : memref<1x299008xi32, #tpu.memory_space<hbm>> -> memref<299008xi32, #tpu.memory_space<hbm>>
      %dma_wait3A_86 = tpu.memref_slice %dma_wait3A_85[%mul3A_6] : memref<299008xi32, #tpu.memory_space<hbm>> -> memref<9344xi32, #tpu.memory_space<hbm>>
      %dma_wait3A_87 = arith.constant 0 : i32
      %dma_wait3A_88 = tpu.memref_slice %arg2[%run_scoped3A, %dma_wait3A_87] : memref<2x299008xi32, #tpu.memory_space<hbm>> -> memref<1x299008xi32, #tpu.memory_space<hbm>>
      %dma_wait3A_89 = tpu.memref_squeeze %dma_wait3A_88 : memref<1x299008xi32, #tpu.memory_space<hbm>> -> memref<299008xi32, #tpu.memory_space<hbm>>
      %dma_wait3A_90 = tpu.memref_slice %dma_wait3A_89[%mul3A_6] : memref<299008xi32, #tpu.memory_space<hbm>> -> memref<9344xi32, #tpu.memory_space<hbm>>
      tpu.wait_dma2 semaphore(%run_scoped3A_76 : memref<!tpu.dma_semaphore, #tpu.memory_space<semaphore_mem>>) src(%dma_wait3A_90 : memref<9344xi32, #tpu.memory_space<hbm>>) dst(%arg7 : memref<9344xi32, #tpu.memory_space<vmem>>)
      tpu.yield
    }) : () -> ()
    %run_scoped3A_7 = arith.constant 1 : i32
    "tpu.region"() ({
      %run_scoped3A_76 = tpu.sem_alloc : memref<!tpu.dma_semaphore, #tpu.memory_space<semaphore_mem>>
      %dma_start3A = arith.constant 0 : i32
      %dma_start3A_77 = tpu.memref_slice %arg2[%run_scoped3A_7, %dma_start3A] : memref<2x299008xi32, #tpu.memory_space<hbm>> -> memref<1x299008xi32, #tpu.memory_space<hbm>>
      %dma_start3A_78 = tpu.memref_squeeze %dma_start3A_77 : memref<1x299008xi32, #tpu.memory_space<hbm>> -> memref<299008xi32, #tpu.memory_space<hbm>>
      %dma_start3A_79 = tpu.memref_slice %dma_start3A_78[%mul3A_6] : memref<299008xi32, #tpu.memory_space<hbm>> -> memref<9344xi32, #tpu.memory_space<hbm>>
      %dma_start3A_80 = arith.constant 0 : i32
      %dma_start3A_81 = tpu.memref_slice %arg2[%run_scoped3A_7, %dma_start3A_80] : memref<2x299008xi32, #tpu.memory_space<hbm>> -> memref<1x299008xi32, #tpu.memory_space<hbm>>
      %dma_start3A_82 = tpu.memref_squeeze %dma_start3A_81 : memref<1x299008xi32, #tpu.memory_space<hbm>> -> memref<299008xi32, #tpu.memory_space<hbm>>
      %dma_start3A_83 = tpu.memref_slice %dma_start3A_82[%mul3A_6] : memref<299008xi32, #tpu.memory_space<hbm>> -> memref<9344xi32, #tpu.memory_space<hbm>>
      tpu.enqueue_dma source(%dma_start3A_83 : memref<9344xi32, #tpu.memory_space<hbm>>) target(%arg6 : memref<9344xi32, #tpu.memory_space<vmem>>) target_semaphore(%run_scoped3A_76 : memref<!tpu.dma_semaphore, #tpu.memory_space<semaphore_mem>>)
      %dma_wait3A = arith.constant 0 : i32
      %dma_wait3A_84 = tpu.memref_slice %arg2[%run_scoped3A_7, %dma_wait3A] : memref<2x299008xi32, #tpu.memory_space<hbm>> -> memref<1x299008xi32, #tpu.memory_space<hbm>>
      %dma_wait3A_85 = tpu.memref_squeeze %dma_wait3A_84 : memref<1x299008xi32, #tpu.memory_space<hbm>> -> memref<299008xi32, #tpu.memory_space<hbm>>
      %dma_wait3A_86 = tpu.memref_slice %dma_wait3A_85[%mul3A_6] : memref<299008xi32, #tpu.memory_space<hbm>> -> memref<9344xi32, #tpu.memory_space<hbm>>
      %dma_wait3A_87 = arith.constant 0 : i32
      %dma_wait3A_88 = tpu.memref_slice %arg2[%run_scoped3A_7, %dma_wait3A_87] : memref<2x299008xi32, #tpu.memory_space<hbm>> -> memref<1x299008xi32, #tpu.memory_space<hbm>>
      %dma_wait3A_89 = tpu.memref_squeeze %dma_wait3A_88 : memref<1x299008xi32, #tpu.memory_space<hbm>> -> memref<299008xi32, #tpu.memory_space<hbm>>
      %dma_wait3A_90 = tpu.memref_slice %dma_wait3A_89[%mul3A_6] : memref<299008xi32, #tpu.memory_space<hbm>> -> memref<9344xi32, #tpu.memory_space<hbm>>
      tpu.wait_dma2 semaphore(%run_scoped3A_76 : memref<!tpu.dma_semaphore, #tpu.memory_space<semaphore_mem>>) src(%dma_wait3A_90 : memref<9344xi32, #tpu.memory_space<hbm>>) dst(%arg6 : memref<9344xi32, #tpu.memory_space<vmem>>)
      tpu.yield
    }) : () -> ()
    %broadcast_in_dim3A = arith.constant 0 : i32
    %broadcast_in_dim3A_8 = vector.broadcast %broadcast_in_dim3A : i32 to vector<16xi32>
    %parallel_loop3A = arith.constant 0 : i32
    %parallel_loop3A_9 = arith.constant 584 : i32
    %parallel_loop3A_10 = arith.constant 1 : i32
    %parallel_loop3A_11 = scf.for %parallel_loop3A_76 = %parallel_loop3A to %parallel_loop3A_9 step %parallel_loop3A_10 iter_args(%parallel_loop3A_77 = %broadcast_in_dim3A_8) -> (vector<16xi32>)  : i32 {
      %parallel_loop3A_78 = arith.constant 16 : i32
      %parallel_loop3A_79 = arith.muli %parallel_loop3A_76, %parallel_loop3A_78 : i32
      %parallel_loop3A_80 = arith.index_cast %parallel_loop3A_79 : i32 to index
      %parallel_loop3A_81 = tpu.vector_load %arg6[%parallel_loop3A_80] {strides = array<i32>} : memref<9344xi32, #tpu.memory_space<vmem>>, vector<16xi32>,
      %parallel_loop3A_82 = arith.constant 16 : i32
      %parallel_loop3A_83 = arith.muli %parallel_loop3A_76, %parallel_loop3A_82 : i32
      %parallel_loop3A_84 = arith.index_cast %parallel_loop3A_83 : i32 to index
      %parallel_loop3A_85 = tpu.vector_load %arg7[%parallel_loop3A_84] {strides = array<i32>} : memref<9344xi32, #tpu.memory_space<vmem>>, vector<16xi32>,
      %parallel_loop3A_86 = arith.constant 17920 : i32
      %parallel_loop3A_87 = vector.broadcast %parallel_loop3A_86 : i32 to vector<16xi32>
      %parallel_loop3A_88 = arith.cmpi sge, %parallel_loop3A_81, %parallel_loop3A_87 : vector<16xi32>
      %parallel_loop3A_89 = arith.extui %parallel_loop3A_88 : vector<16xi1> to vector<16xi32>
      %parallel_loop3A_90 = arith.constant true
      %parallel_loop3A_91 = vector.broadcast %parallel_loop3A_90 : i1 to vector<16xi1>
      %parallel_loop3A_92 = tpu.scan <sum>, %parallel_loop3A_89 masked %parallel_loop3A_91 : vector<16xi32>, vector<16xi1> -> vector<16xi32>
      %parallel_loop3A_93 = arith.addi %parallel_loop3A_77, %parallel_loop3A_92 : vector<16xi32>
      %parallel_loop3A_94 = arith.constant 1 : i32
      %parallel_loop3A_95 = vector.broadcast %parallel_loop3A_94 : i32 to vector<16xi32>
      %parallel_loop3A_96 = arith.subi %parallel_loop3A_93, %parallel_loop3A_95 : vector<16xi32>
      %parallel_loop3A_97 = arith.constant 7 : i32
      %parallel_loop3A_98 = vector.broadcast %parallel_loop3A_97 : i32 to vector<16xi32>
      %parallel_loop3A_99 = arith.shrsi %parallel_loop3A_96, %parallel_loop3A_98 : vector<16xi32>
      %parallel_loop3A_100 = arith.constant 127 : i32
      %parallel_loop3A_101 = vector.broadcast %parallel_loop3A_100 : i32 to vector<16xi32>
      %parallel_loop3A_102 = arith.andi %parallel_loop3A_96, %parallel_loop3A_101 : vector<16xi32>
      tpu.vector_store_idx %arg8[%parallel_loop3A_99, %parallel_loop3A_102], %parallel_loop3A_85 masked %parallel_loop3A_88 : memref<73x128xi32, #tpu.memory_space<vmem>>[vector<16xi32>, vector<16xi32>], vector<16xi32>, vector<16xi1>
      %parallel_loop3A_103 = arith.constant 17920 : i32
      %parallel_loop3A_104 = vector.broadcast %parallel_loop3A_103 : i32 to vector<16xi32>
      %parallel_loop3A_105 = arith.subi %parallel_loop3A_81, %parallel_loop3A_104 : vector<16xi32>
      tpu.vector_store_idx %arg9[%parallel_loop3A_99, %parallel_loop3A_102], %parallel_loop3A_105 masked %parallel_loop3A_88 : memref<73x128xi32, #tpu.memory_space<vmem>>[vector<16xi32>, vector<16xi32>], vector<16xi32>, vector<16xi1>
      %parallel_loop3A_106 = tpu.all_reduce %parallel_loop3A_88 {dim = 0 : i64, kind = #tpu.reduction_kind<sum>} : vector<16xi1> -> vector<16xi32>
      %parallel_loop3A_107 = arith.addi %parallel_loop3A_77, %parallel_loop3A_106 : vector<16xi32>
      scf.yield %parallel_loop3A_107 : vector<16xi32>
    } {sc.loop_unroll_factor = 8 : i64, sc.parallel_access}
    %reduce_max3A = arith.constant true
    %reduce_max3A_12 = vector.broadcast %reduce_max3A : i1 to vector<16xi1>
    %reduce_max3A_13 = arith.constant -2147483648 : i32
    %reduce_max3A_14 = vector.broadcast %reduce_max3A_13 : i32 to vector<16xi32>
    %reduce_max3A_15 = arith.xori %parallel_loop3A_11, %reduce_max3A_14 : vector<16xi32>
    %reduce_max3A_16 = tpu.scan <max>, %reduce_max3A_15 masked %reduce_max3A_12 : vector<16xi32>, vector<16xi1> -> vector<16xi32>
    %reduce_max3A_17 = arith.xori %reduce_max3A_16, %reduce_max3A_14 : vector<16xi32>
    %reduce_max3A_18 = vector.extract %reduce_max3A_17[15] : i32 from vector<16xi32>
    %add3A_19 = arith.constant 128 : i32
    %add3A_20 = arith.addi %reduce_max3A_18, %add3A_19 : i32
    %sub3A = arith.constant 1 : i32
    %sub3A_21 = arith.subi %add3A_20, %sub3A : i32
    %jit3A = arith.constant 128 : i32
    %div3A = arith.divsi %sub3A_21, %jit3A : i32
    %sign3A = arith.constant 0 : i32
    %sign3A_22 = arith.cmpi sgt, %sub3A_21, %sign3A : i32
    %sign3A_23 = arith.extui %sign3A_22 : i1 to i32
    %sign3A_24 = arith.constant 0 : i32
    %sign3A_25 = arith.cmpi slt, %sub3A_21, %sign3A_24 : i32
    %sign3A_26 = arith.extui %sign3A_25 : i1 to i32
    %sign3A_27 = arith.subi %sign3A_23, %sign3A_26 : i32
    %sign3A_28 = arith.constant 0 : i32
    %sign3A_29 = arith.cmpi sgt, %jit3A, %sign3A_28 : i32
    %sign3A_30 = arith.extui %sign3A_29 : i1 to i32
    %sign3A_31 = arith.constant 0 : i32
    %sign3A_32 = arith.cmpi slt, %jit3A, %sign3A_31 : i32
    %sign3A_33 = arith.extui %sign3A_32 : i1 to i32
    %sign3A_34 = arith.subi %sign3A_30, %sign3A_33 : i32
    %ne3A = arith.cmpi ne, %sign3A_27, %sign3A_34 : i32
    %rem3A = arith.remsi %sub3A_21, %jit3A : i32
    %ne3A_35 = arith.constant 0 : i32
    %ne3A_36 = arith.cmpi ne, %rem3A, %ne3A_35 : i32
    %and3A = arith.andi %ne3A, %ne3A_36 : i1
    %sub3A_37 = arith.constant 1 : i32
    %sub3A_38 = arith.subi %div3A, %sub3A_37 : i32
    %select_n3A = arith.select %and3A, %sub3A_38, %div3A : i32
    %mul3A_39 = arith.constant 128 : i32
    %mul3A_40 = arith.muli %select_n3A, %mul3A_39 : i32
    %while3A = scf.while (%while3A_76 = %reduce_max3A_18) : (i32) -> i32 {
      %lt3A = arith.cmpi slt, %while3A_76, %mul3A_40 : i32
      scf.condition(%lt3A) %while3A_76 : i32
    } do {
    ^bb0(%while3A_76: i32):
      %iota3A = tpu.iota {dimensions = array<i32: 0>} : vector<16xi32>
      %add3A_77 = vector.broadcast %while3A_76 : i32 to vector<16xi32>
      %add3A_78 = arith.addi %add3A_77, %iota3A : vector<16xi32>
      %lt3A = vector.broadcast %mul3A_40 : i32 to vector<16xi32>
      %lt3A_79 = arith.cmpi slt, %add3A_78, %lt3A : vector<16xi32>
      %shift_right_arithmetic3A = arith.constant 7 : i32
      %shift_right_arithmetic3A_80 = vector.broadcast %shift_right_arithmetic3A : i32 to vector<16xi32>
      %shift_right_arithmetic3A_81 = arith.shrsi %add3A_78, %shift_right_arithmetic3A_80 : vector<16xi32>
      %and3A_82 = arith.constant 127 : i32
      %and3A_83 = vector.broadcast %and3A_82 : i32 to vector<16xi32>
      %and3A_84 = arith.andi %add3A_78, %and3A_83 : vector<16xi32>
      %broadcast_in_dim3A_85 = arith.constant 0 : i32
      %broadcast_in_dim3A_86 = vector.broadcast %broadcast_in_dim3A_85 : i32 to vector<16xi32>
      tpu.vector_store_idx %arg8[%shift_right_arithmetic3A_81, %and3A_84], %broadcast_in_dim3A_86 masked %lt3A_79 : memref<73x128xi32, #tpu.memory_space<vmem>>[vector<16xi32>, vector<16xi32>], vector<16xi32>, vector<16xi1>
      %broadcast_in_dim3A_87 = arith.constant 768 : i32
      %broadcast_in_dim3A_88 = vector.broadcast %broadcast_in_dim3A_87 : i32 to vector<16xi32>
      tpu.vector_store_idx %arg9[%shift_right_arithmetic3A_81, %and3A_84], %broadcast_in_dim3A_88 masked %lt3A_79 : memref<73x128xi32, #tpu.memory_space<vmem>>[vector<16xi32>, vector<16xi32>], vector<16xi32>, vector<16xi1>
      %add3A_89 = arith.constant 16 : i32
      %add3A_90 = arith.addi %while3A_76, %add3A_89 : i32
      scf.yield %add3A_90 : i32
    }
    %jit3A_41 = arith.constant 128 : i32
    %div3A_42 = arith.divsi %mul3A_40, %jit3A_41 : i32
    %sign3A_43 = arith.constant 0 : i32
    %sign3A_44 = arith.cmpi sgt, %mul3A_40, %sign3A_43 : i32
    %sign3A_45 = arith.extui %sign3A_44 : i1 to i32
    %sign3A_46 = arith.constant 0 : i32
    %sign3A_47 = arith.cmpi slt, %mul3A_40, %sign3A_46 : i32
    %sign3A_48 = arith.extui %sign3A_47 : i1 to i32
    %sign3A_49 = arith.subi %sign3A_45, %sign3A_48 : i32
    %sign3A_50 = arith.constant 0 : i32
    %sign3A_51 = arith.cmpi sgt, %jit3A_41, %sign3A_50 : i32
    %sign3A_52 = arith.extui %sign3A_51 : i1 to i32
    %sign3A_53 = arith.constant 0 : i32
    %sign3A_54 = arith.cmpi slt, %jit3A_41, %sign3A_53 : i32
    %sign3A_55 = arith.extui %sign3A_54 : i1 to i32
    %sign3A_56 = arith.subi %sign3A_52, %sign3A_55 : i32
    %ne3A_57 = arith.cmpi ne, %sign3A_49, %sign3A_56 : i32
    %rem3A_58 = arith.remsi %mul3A_40, %jit3A_41 : i32
    %ne3A_59 = arith.constant 0 : i32
    %ne3A_60 = arith.cmpi ne, %rem3A_58, %ne3A_59 : i32
    %and3A_61 = arith.andi %ne3A_57, %ne3A_60 : i1
    %sub3A_62 = arith.constant 1 : i32
    %sub3A_63 = arith.subi %div3A_42, %sub3A_62 : i32
    %select_n3A_64 = arith.select %and3A_61, %sub3A_63, %div3A_42 : i32
    %while3A_65 = arith.constant 0 : i32
    %while3A_66 = arith.constant 0 : i32
    %while3A_67 = arith.subi %select_n3A_64, %while3A_66 : i32
    %while3A_68 = arith.addi %while3A_66, %while3A_67 : i32
    %while3A_69 = arith.constant 1 : i32
    %while3A_70 = arith.divsi %while3A_67, %while3A_69 : i32
    %while3A_71 = arith.muli %while3A_70, %while3A_69 : i32
    %while3A_72 = arith.addi %while3A_66, %while3A_71 : i32
    %while3A_73 = arith.constant 1 : i32
    scf.for %while3A_76 = %while3A_66 to %while3A_72 step %while3A_73  : i32 {
      %dma_start3A = arith.constant 0 : i32
      %dma_start3A_77 = tpu.memref_slice %arg8[%while3A_76, %dma_start3A] : memref<73x128xi32, #tpu.memory_space<vmem>> -> memref<1x128xi32, #tpu.memory_space<vmem>>
      %dma_start3A_78 = tpu.memref_squeeze %dma_start3A_77 : memref<1x128xi32, #tpu.memory_space<vmem>> -> memref<128xi32, #tpu.memory_space<vmem>>
      %dma_start3A_79 = arith.constant 0 : i32
      %dma_start3A_80 = arith.constant 0 : i32
      %dma_start3A_81 = tpu.memref_slice %arg3[%dma_start3A_79, %dma_start3A_80] : memref<18688x48xf32, #tpu.memory_space<hbm>> -> memref<18688x48xf32, #tpu.memory_space<hbm>>
      tpu.enqueue_indirect_dma source(%dma_start3A_81 : memref<18688x48xf32, #tpu.memory_space<hbm>>) target(%arg10 : memref<128x48xf32, #tpu.memory_space<vmem>>) offsets(%dma_start3A_78 : memref<128xi32, #tpu.memory_space<vmem>>) semaphore(%arg13 : memref<!tpu.dma_semaphore, #tpu.memory_space<semaphore_mem>>)
      %dma_wait3A = arith.constant 0 : i32
      %dma_wait3A_82 = tpu.memref_slice %arg8[%while3A_76, %dma_wait3A] : memref<73x128xi32, #tpu.memory_space<vmem>> -> memref<1x128xi32, #tpu.memory_space<vmem>>
      %dma_wait3A_83 = tpu.memref_squeeze %dma_wait3A_82 : memref<1x128xi32, #tpu.memory_space<vmem>> -> memref<128xi32, #tpu.memory_space<vmem>>
      %dma_wait3A_84 = arith.constant 0 : i32
      %dma_wait3A_85 = arith.constant 0 : i32
      %dma_wait3A_86 = tpu.memref_slice %arg3[%dma_wait3A_84, %dma_wait3A_85] : memref<18688x48xf32, #tpu.memory_space<hbm>> -> memref<18688x48xf32, #tpu.memory_space<hbm>>
      tpu.wait_indirect_dma semaphore(%arg13 : memref<!tpu.dma_semaphore, #tpu.memory_space<semaphore_mem>>) src(%dma_wait3A_86 : memref<18688x48xf32, #tpu.memory_space<hbm>>) dst(%arg10 : memref<128x48xf32, #tpu.memory_space<vmem>>)
      "tpu.region"() ({
        %run_scoped3A_87 = tpu.sem_alloc : memref<!tpu.dma_semaphore, #tpu.memory_space<semaphore_mem>>
        %dma_start3A_88 = arith.constant 0 : i32
        %dma_start3A_89 = tpu.memref_slice %arg9[%while3A_76, %dma_start3A_88] : memref<73x128xi32, #tpu.memory_space<vmem>> -> memref<1x128xi32, #tpu.memory_space<vmem>>
        %dma_start3A_90 = tpu.memref_squeeze %dma_start3A_89 : memref<1x128xi32, #tpu.memory_space<vmem>> -> memref<128xi32, #tpu.memory_space<vmem>>
        %dma_start3A_91 = arith.constant 0 : i32
        %dma_start3A_92 = arith.constant 0 : i32
        %dma_start3A_93 = tpu.memref_slice %arg12[%dma_start3A_91, %dma_start3A_92] : memref<784x48xf32, #tpu.memory_space<vmem_shared>> -> memref<784x48xf32, #tpu.memory_space<vmem_shared>>
        tpu.enqueue_indirect_dma source(%arg10 : memref<128x48xf32, #tpu.memory_space<vmem>>) target(%dma_start3A_93 : memref<784x48xf32, #tpu.memory_space<vmem_shared>>) offsets(%dma_start3A_90 : memref<128xi32, #tpu.memory_space<vmem>>) semaphore(%run_scoped3A_87 : memref<!tpu.dma_semaphore, #tpu.memory_space<semaphore_mem>>) {add = true}
        %dma_wait3A_94 = arith.constant 0 : i32
        %dma_wait3A_95 = tpu.memref_slice %arg9[%while3A_76, %dma_wait3A_94] : memref<73x128xi32, #tpu.memory_space<vmem>> -> memref<1x128xi32, #tpu.memory_space<vmem>>
        %dma_wait3A_96 = tpu.memref_squeeze %dma_wait3A_95 : memref<1x128xi32, #tpu.memory_space<vmem>> -> memref<128xi32, #tpu.memory_space<vmem>>
        %dma_wait3A_97 = arith.constant 0 : i32
        %dma_wait3A_98 = arith.constant 0 : i32
        %dma_wait3A_99 = tpu.memref_slice %arg12[%dma_wait3A_97, %dma_wait3A_98] : memref<784x48xf32, #tpu.memory_space<vmem_shared>> -> memref<784x48xf32, #tpu.memory_space<vmem_shared>>
        tpu.wait_indirect_dma semaphore(%run_scoped3A_87 : memref<!tpu.dma_semaphore, #tpu.memory_space<semaphore_mem>>) src(%arg10 : memref<128x48xf32, #tpu.memory_space<vmem>>) dst(%dma_wait3A_99 : memref<784x48xf32, #tpu.memory_space<vmem_shared>>)
        tpu.yield
      }) : () -> ()
    }
    %while3A_74 = arith.constant 1 : i32
    scf.for %while3A_76 = %while3A_72 to %while3A_68 step %while3A_74  : i32 {
      %dma_start3A = arith.constant 0 : i32
      %dma_start3A_77 = tpu.memref_slice %arg8[%while3A_76, %dma_start3A] : memref<73x128xi32, #tpu.memory_space<vmem>> -> memref<1x128xi32, #tpu.memory_space<vmem>>
      %dma_start3A_78 = tpu.memref_squeeze %dma_start3A_77 : memref<1x128xi32, #tpu.memory_space<vmem>> -> memref<128xi32, #tpu.memory_space<vmem>>
      %dma_start3A_79 = arith.constant 0 : i32
      %dma_start3A_80 = arith.constant 0 : i32
      %dma_start3A_81 = tpu.memref_slice %arg3[%dma_start3A_79, %dma_start3A_80] : memref<18688x48xf32, #tpu.memory_space<hbm>> -> memref<18688x48xf32, #tpu.memory_space<hbm>>
      tpu.enqueue_indirect_dma source(%dma_start3A_81 : memref<18688x48xf32, #tpu.memory_space<hbm>>) target(%arg10 : memref<128x48xf32, #tpu.memory_space<vmem>>) offsets(%dma_start3A_78 : memref<128xi32, #tpu.memory_space<vmem>>) semaphore(%arg13 : memref<!tpu.dma_semaphore, #tpu.memory_space<semaphore_mem>>)
      %dma_wait3A = arith.constant 0 : i32
      %dma_wait3A_82 = tpu.memref_slice %arg8[%while3A_76, %dma_wait3A] : memref<73x128xi32, #tpu.memory_space<vmem>> -> memref<1x128xi32, #tpu.memory_space<vmem>>
      %dma_wait3A_83 = tpu.memref_squeeze %dma_wait3A_82 : memref<1x128xi32, #tpu.memory_space<vmem>> -> memref<128xi32, #tpu.memory_space<vmem>>
      %dma_wait3A_84 = arith.constant 0 : i32
      %dma_wait3A_85 = arith.constant 0 : i32
      %dma_wait3A_86 = tpu.memref_slice %arg3[%dma_wait3A_84, %dma_wait3A_85] : memref<18688x48xf32, #tpu.memory_space<hbm>> -> memref<18688x48xf32, #tpu.memory_space<hbm>>
      tpu.wait_indirect_dma semaphore(%arg13 : memref<!tpu.dma_semaphore, #tpu.memory_space<semaphore_mem>>) src(%dma_wait3A_86 : memref<18688x48xf32, #tpu.memory_space<hbm>>) dst(%arg10 : memref<128x48xf32, #tpu.memory_space<vmem>>)
      "tpu.region"() ({
        %run_scoped3A_87 = tpu.sem_alloc : memref<!tpu.dma_semaphore, #tpu.memory_space<semaphore_mem>>
        %dma_start3A_88 = arith.constant 0 : i32
        %dma_start3A_89 = tpu.memref_slice %arg9[%while3A_76, %dma_start3A_88] : memref<73x128xi32, #tpu.memory_space<vmem>> -> memref<1x128xi32, #tpu.memory_space<vmem>>
        %dma_start3A_90 = tpu.memref_squeeze %dma_start3A_89 : memref<1x128xi32, #tpu.memory_space<vmem>> -> memref<128xi32, #tpu.memory_space<vmem>>
        %dma_start3A_91 = arith.constant 0 : i32
        %dma_start3A_92 = arith.constant 0 : i32
        %dma_start3A_93 = tpu.memref_slice %arg12[%dma_start3A_91, %dma_start3A_92] : memref<784x48xf32, #tpu.memory_space<vmem_shared>> -> memref<784x48xf32, #tpu.memory_space<vmem_shared>>
        tpu.enqueue_indirect_dma source(%arg10 : memref<128x48xf32, #tpu.memory_space<vmem>>) target(%dma_start3A_93 : memref<784x48xf32, #tpu.memory_space<vmem_shared>>) offsets(%dma_start3A_90 : memref<128xi32, #tpu.memory_space<vmem>>) semaphore(%run_scoped3A_87 : memref<!tpu.dma_semaphore, #tpu.memory_space<semaphore_mem>>) {add = true}
        %dma_wait3A_94 = arith.constant 0 : i32
        %dma_wait3A_95 = tpu.memref_slice %arg9[%while3A_76, %dma_wait3A_94] : memref<73x128xi32, #tpu.memory_space<vmem>> -> memref<1x128xi32, #tpu.memory_space<vmem>>
        %dma_wait3A_96 = tpu.memref_squeeze %dma_wait3A_95 : memref<1x128xi32, #tpu.memory_space<vmem>> -> memref<128xi32, #tpu.memory_space<vmem>>
        %dma_wait3A_97 = arith.constant 0 : i32
        %dma_wait3A_98 = arith.constant 0 : i32
        %dma_wait3A_99 = tpu.memref_slice %arg12[%dma_wait3A_97, %dma_wait3A_98] : memref<784x48xf32, #tpu.memory_space<vmem_shared>> -> memref<784x48xf32, #tpu.memory_space<vmem_shared>>
        tpu.wait_indirect_dma semaphore(%run_scoped3A_87 : memref<!tpu.dma_semaphore, #tpu.memory_space<semaphore_mem>>) src(%arg10 : memref<128x48xf32, #tpu.memory_space<vmem>>) dst(%dma_wait3A_99 : memref<784x48xf32, #tpu.memory_space<vmem_shared>>)
        tpu.yield
      }) : () -> ()
    }
    %barrier3A_75 = arith.constant 0 : index
    tpu.barrier barrier_id(%barrier3A_75)
    "tpu.region"() ({
      %run_scoped3A_76 = tpu.sem_alloc : memref<!tpu.dma_semaphore, #tpu.memory_space<semaphore_mem>>
      %dma_start3A = arith.constant 0 : i32
      %dma_start3A_77 = tpu.memref_slice %arg12[%mul3A_2, %dma_start3A] : memref<784x48xf32, #tpu.memory_space<vmem_shared>> -> memref<48x48xf32, #tpu.memory_space<vmem_shared>>
      %dma_start3A_78 = arith.constant 0 : i32
      %dma_start3A_79 = tpu.memref_slice %arg12[%mul3A_2, %dma_start3A_78] : memref<784x48xf32, #tpu.memory_space<vmem_shared>> -> memref<48x48xf32, #tpu.memory_space<vmem_shared>>
      tpu.enqueue_dma source(%dma_start3A_79 : memref<48x48xf32, #tpu.memory_space<vmem_shared>>) target(%arg11 : memref<48x48xf32, #tpu.memory_space<vmem>>) target_semaphore(%run_scoped3A_76 : memref<!tpu.dma_semaphore, #tpu.memory_space<semaphore_mem>>)
      %dma_wait3A = arith.constant 0 : i32
      %dma_wait3A_80 = tpu.memref_slice %arg12[%mul3A_2, %dma_wait3A] : memref<784x48xf32, #tpu.memory_space<vmem_shared>> -> memref<48x48xf32, #tpu.memory_space<vmem_shared>>
      %dma_wait3A_81 = arith.constant 0 : i32
      %dma_wait3A_82 = tpu.memref_slice %arg12[%mul3A_2, %dma_wait3A_81] : memref<784x48xf32, #tpu.memory_space<vmem_shared>> -> memref<48x48xf32, #tpu.memory_space<vmem_shared>>
      tpu.wait_dma2 semaphore(%run_scoped3A_76 : memref<!tpu.dma_semaphore, #tpu.memory_space<semaphore_mem>>) src(%dma_wait3A_82 : memref<48x48xf32, #tpu.memory_space<vmem_shared>>) dst(%arg11 : memref<48x48xf32, #tpu.memory_space<vmem>>)
      tpu.yield
    }) : () -> ()
    "tpu.region"() ({
      %run_scoped3A_76 = tpu.sem_alloc : memref<!tpu.dma_semaphore, #tpu.memory_space<semaphore_mem>>
      %dma_start3A = arith.constant 0 : i32
      %dma_start3A_77 = arith.constant 0 : i32
      %dma_start3A_78 = tpu.memref_slice %arg5[%arg0, %dma_start3A, %dma_start3A_77] : memref<2x768x48xf32, #tpu.memory_space<hbm>> -> memref<1x768x48xf32, #tpu.memory_space<hbm>>
      %dma_start3A_79 = tpu.memref_squeeze %dma_start3A_78 : memref<1x768x48xf32, #tpu.memory_space<hbm>> -> memref<768x48xf32, #tpu.memory_space<hbm>>
      %dma_start3A_80 = arith.constant 0 : i32
      %dma_start3A_81 = tpu.memref_slice %dma_start3A_79[%mul3A_2, %dma_start3A_80] : memref<768x48xf32, #tpu.memory_space<hbm>> -> memref<48x48xf32, #tpu.memory_space<hbm>>
      %dma_start3A_82 = arith.constant 0 : i32
      %dma_start3A_83 = arith.constant 0 : i32
      %dma_start3A_84 = tpu.memref_slice %arg5[%arg0, %dma_start3A_82, %dma_start3A_83] : memref<2x768x48xf32, #tpu.memory_space<hbm>> -> memref<1x768x48xf32, #tpu.memory_space<hbm>>
      %dma_start3A_85 = tpu.memref_squeeze %dma_start3A_84 : memref<1x768x48xf32, #tpu.memory_space<hbm>> -> memref<768x48xf32, #tpu.memory_space<hbm>>
      %dma_start3A_86 = arith.constant 0 : i32
      %dma_start3A_87 = tpu.memref_slice %dma_start3A_85[%mul3A_2, %dma_start3A_86] : memref<768x48xf32, #tpu.memory_space<hbm>> -> memref<48x48xf32, #tpu.memory_space<hbm>>
      tpu.enqueue_dma source(%arg11 : memref<48x48xf32, #tpu.memory_space<vmem>>) target(%dma_start3A_87 : memref<48x48xf32, #tpu.memory_space<hbm>>) target_semaphore(%run_scoped3A_76 : memref<!tpu.dma_semaphore, #tpu.memory_space<semaphore_mem>>)
      %dma_wait3A = arith.constant 0 : i32
      %dma_wait3A_88 = arith.constant 0 : i32
      %dma_wait3A_89 = tpu.memref_slice %arg5[%arg0, %dma_wait3A, %dma_wait3A_88] : memref<2x768x48xf32, #tpu.memory_space<hbm>> -> memref<1x768x48xf32, #tpu.memory_space<hbm>>
      %dma_wait3A_90 = tpu.memref_squeeze %dma_wait3A_89 : memref<1x768x48xf32, #tpu.memory_space<hbm>> -> memref<768x48xf32, #tpu.memory_space<hbm>>
      %dma_wait3A_91 = arith.constant 0 : i32
      %dma_wait3A_92 = tpu.memref_slice %dma_wait3A_90[%mul3A_2, %dma_wait3A_91] : memref<768x48xf32, #tpu.memory_space<hbm>> -> memref<48x48xf32, #tpu.memory_space<hbm>>
      %dma_wait3A_93 = arith.constant 0 : i32
      %dma_wait3A_94 = arith.constant 0 : i32
      %dma_wait3A_95 = tpu.memref_slice %arg5[%arg0, %dma_wait3A_93, %dma_wait3A_94] : memref<2x768x48xf32, #tpu.memory_space<hbm>> -> memref<1x768x48xf32, #tpu.memory_space<hbm>>
      %dma_wait3A_96 = tpu.memref_squeeze %dma_wait3A_95 : memref<1x768x48xf32, #tpu.memory_space<hbm>> -> memref<768x48xf32, #tpu.memory_space<hbm>>
      %dma_wait3A_97 = arith.constant 0 : i32
      %dma_wait3A_98 = tpu.memref_slice %dma_wait3A_96[%mul3A_2, %dma_wait3A_97] : memref<768x48xf32, #tpu.memory_space<hbm>> -> memref<48x48xf32, #tpu.memory_space<hbm>>
      tpu.wait_dma2 semaphore(%run_scoped3A_76 : memref<!tpu.dma_semaphore, #tpu.memory_space<semaphore_mem>>) src(%arg11 : memref<48x48xf32, #tpu.memory_space<vmem>>) dst(%dma_wait3A_98 : memref<48x48xf32, #tpu.memory_space<hbm>>)
      tpu.yield
    }) : () -> ()
    return
  }
}

module attributes {stable_mosaic.version = 14 : i64} {
  func.func @body(%arg0: memref<8x6400xf32, #tpu.memory_space<vmem>>, %arg1: memref<10x7680xf32, #tpu.memory_space<vmem>>, %arg2: memref<6x3840xf32, #tpu.memory_space<vmem>>, %arg3: memref<12x768xf32, #tpu.memory_space<vmem>>, %arg4: memref<18688x48xf32, #tpu.memory_space<vmem>>) attributes {dimension_semantics = [], scalar_prefetch = 0 : i64, scratch_operands = 0 : i64, tpu.core_type = #tpu.core_type<tc>} {
    %get3A = arith.constant 0 : index
    %get3A_0 = arith.constant 0 : index
    %get3A_1 = vector.load %arg0[%get3A, %get3A_0] : memref<8x6400xf32, #tpu.memory_space<vmem>>, vector<8x6400xf32>
    %transpose3A = tpu.transpose %get3A_1, [1, 0] : vector<8x6400xf32> -> vector<6400x8xf32>
    %broadcast_in_dim3A = arith.constant 0.000000e+00 : f32
    %broadcast_in_dim3A_2 = vector.broadcast %broadcast_in_dim3A : f32 to vector<6400x28xf32>
    %broadcast_in_dim3A_3 = arith.constant 1.000000e+00 : f32
    %broadcast_in_dim3A_4 = vector.broadcast %broadcast_in_dim3A_3 : f32 to vector<6400x1xf32>
    %broadcast_in_dim3A_5 = arith.constant 0.000000e+00 : f32
    %broadcast_in_dim3A_6 = vector.broadcast %broadcast_in_dim3A_5 : f32 to vector<6400x3xf32>
    %broadcast_in_dim3A_7 = arith.constant 1.000000e+00 : f32
    %broadcast_in_dim3A_8 = vector.broadcast %broadcast_in_dim3A_7 : f32 to vector<6400x1xf32>
    %broadcast_in_dim3A_9 = arith.constant 0.000000e+00 : f32
    %broadcast_in_dim3A_10 = vector.broadcast %broadcast_in_dim3A_9 : f32 to vector<6400x7xf32>
    %concatenate3A = tpu.concatenate %transpose3A, %broadcast_in_dim3A_2, %broadcast_in_dim3A_4, %broadcast_in_dim3A_6, %broadcast_in_dim3A_8, %broadcast_in_dim3A_10 in 1 : vector<6400x8xf32>, vector<6400x28xf32>, vector<6400x1xf32>, vector<6400x3xf32>, vector<6400x1xf32>, vector<6400x7xf32> -> vector<6400x48xf32>
    %swap3A = arith.constant 0 : index
    %swap3A_11 = arith.constant 0 : index
    %swap3A_12 = vector.load %arg4[%swap3A, %swap3A_11] : memref<18688x48xf32, #tpu.memory_space<vmem>>, vector<6400x48xf32>
    tpu.vector_store %arg4[%swap3A, %swap3A_11], %concatenate3A {strides = array<i32>} : memref<18688x48xf32, #tpu.memory_space<vmem>>, vector<6400x48xf32>,
    %get3A_13 = arith.constant 0 : index
    %get3A_14 = arith.constant 0 : index
    %get3A_15 = vector.load %arg1[%get3A_13, %get3A_14] : memref<10x7680xf32, #tpu.memory_space<vmem>>, vector<10x7680xf32>
    %transpose3A_16 = tpu.transpose %get3A_15, [1, 0] : vector<10x7680xf32> -> vector<7680x10xf32>
    %broadcast_in_dim3A_17 = arith.constant 0.000000e+00 : f32
    %broadcast_in_dim3A_18 = vector.broadcast %broadcast_in_dim3A_17 : f32 to vector<7680x8xf32>
    %broadcast_in_dim3A_19 = arith.constant 0.000000e+00 : f32
    %broadcast_in_dim3A_20 = vector.broadcast %broadcast_in_dim3A_19 : f32 to vector<7680x19xf32>
    %broadcast_in_dim3A_21 = arith.constant 1.000000e+00 : f32
    %broadcast_in_dim3A_22 = vector.broadcast %broadcast_in_dim3A_21 : f32 to vector<7680x1xf32>
    %broadcast_in_dim3A_23 = arith.constant 0.000000e+00 : f32
    %broadcast_in_dim3A_24 = vector.broadcast %broadcast_in_dim3A_23 : f32 to vector<7680x2xf32>
    %broadcast_in_dim3A_25 = arith.constant 1.000000e+00 : f32
    %broadcast_in_dim3A_26 = vector.broadcast %broadcast_in_dim3A_25 : f32 to vector<7680x1xf32>
    %broadcast_in_dim3A_27 = arith.constant 0.000000e+00 : f32
    %broadcast_in_dim3A_28 = vector.broadcast %broadcast_in_dim3A_27 : f32 to vector<7680x7xf32>
    %concatenate3A_29 = tpu.concatenate %broadcast_in_dim3A_18, %transpose3A_16, %broadcast_in_dim3A_20, %broadcast_in_dim3A_22, %broadcast_in_dim3A_24, %broadcast_in_dim3A_26, %broadcast_in_dim3A_28 in 1 : vector<7680x8xf32>, vector<7680x10xf32>, vector<7680x19xf32>, vector<7680x1xf32>, vector<7680x2xf32>, vector<7680x1xf32>, vector<7680x7xf32> -> vector<7680x48xf32>
    %swap3A_30 = arith.constant 6400 : index
    %swap3A_31 = arith.constant 0 : index
    %swap3A_32 = vector.load %arg4[%swap3A_30, %swap3A_31] : memref<18688x48xf32, #tpu.memory_space<vmem>>, vector<7680x48xf32>
    tpu.vector_store %arg4[%swap3A_30, %swap3A_31], %concatenate3A_29 {strides = array<i32>} : memref<18688x48xf32, #tpu.memory_space<vmem>>, vector<7680x48xf32>,
    %get3A_33 = arith.constant 0 : index
    %get3A_34 = arith.constant 0 : index
    %get3A_35 = vector.load %arg2[%get3A_33, %get3A_34] : memref<6x3840xf32, #tpu.memory_space<vmem>>, vector<6x3840xf32>
    %transpose3A_36 = tpu.transpose %get3A_35, [1, 0] : vector<6x3840xf32> -> vector<3840x6xf32>
    %broadcast_in_dim3A_37 = arith.constant 0.000000e+00 : f32
    %broadcast_in_dim3A_38 = vector.broadcast %broadcast_in_dim3A_37 : f32 to vector<3840x18xf32>
    %broadcast_in_dim3A_39 = arith.constant 0.000000e+00 : f32
    %broadcast_in_dim3A_40 = vector.broadcast %broadcast_in_dim3A_39 : f32 to vector<3840x14xf32>
    %broadcast_in_dim3A_41 = arith.constant 1.000000e+00 : f32
    %broadcast_in_dim3A_42 = vector.broadcast %broadcast_in_dim3A_41 : f32 to vector<3840x1xf32>
    %broadcast_in_dim3A_43 = arith.constant 0.000000e+00 : f32
    %broadcast_in_dim3A_44 = vector.broadcast %broadcast_in_dim3A_43 : f32 to vector<3840x1xf32>
    %broadcast_in_dim3A_45 = arith.constant 1.000000e+00 : f32
    %broadcast_in_dim3A_46 = vector.broadcast %broadcast_in_dim3A_45 : f32 to vector<3840x1xf32>
    %broadcast_in_dim3A_47 = arith.constant 0.000000e+00 : f32
    %broadcast_in_dim3A_48 = vector.broadcast %broadcast_in_dim3A_47 : f32 to vector<3840x7xf32>
    %concatenate3A_49 = tpu.concatenate %broadcast_in_dim3A_38, %transpose3A_36, %broadcast_in_dim3A_40, %broadcast_in_dim3A_42, %broadcast_in_dim3A_44, %broadcast_in_dim3A_46, %broadcast_in_dim3A_48 in 1 : vector<3840x18xf32>, vector<3840x6xf32>, vector<3840x14xf32>, vector<3840x1xf32>, vector<3840x1xf32>, vector<3840x1xf32>, vector<3840x7xf32> -> vector<3840x48xf32>
    %swap3A_50 = arith.constant 14080 : index
    %swap3A_51 = arith.constant 0 : index
    %swap3A_52 = vector.load %arg4[%swap3A_50, %swap3A_51] : memref<18688x48xf32, #tpu.memory_space<vmem>>, vector<3840x48xf32>
    tpu.vector_store %arg4[%swap3A_50, %swap3A_51], %concatenate3A_49 {strides = array<i32>} : memref<18688x48xf32, #tpu.memory_space<vmem>>, vector<3840x48xf32>,
    %get3A_53 = arith.constant 0 : index
    %get3A_54 = arith.constant 0 : index
    %get3A_55 = vector.load %arg3[%get3A_53, %get3A_54] : memref<12x768xf32, #tpu.memory_space<vmem>>, vector<12x768xf32>
    %transpose3A_56 = tpu.transpose %get3A_55, [1, 0] : vector<12x768xf32> -> vector<768x12xf32>
    %broadcast_in_dim3A_57 = arith.constant 0.000000e+00 : f32
    %broadcast_in_dim3A_58 = vector.broadcast %broadcast_in_dim3A_57 : f32 to vector<768x24xf32>
    %broadcast_in_dim3A_59 = arith.constant 0.000000e+00 : f32
    %broadcast_in_dim3A_60 = vector.broadcast %broadcast_in_dim3A_59 : f32 to vector<768x3xf32>
    %broadcast_in_dim3A_61 = arith.constant 1.000000e+00 : f32
    %broadcast_in_dim3A_62 = vector.broadcast %broadcast_in_dim3A_61 : f32 to vector<768x1xf32>
    %broadcast_in_dim3A_63 = arith.constant 1.000000e+00 : f32
    %broadcast_in_dim3A_64 = vector.broadcast %broadcast_in_dim3A_63 : f32 to vector<768x1xf32>
    %broadcast_in_dim3A_65 = arith.constant 0.000000e+00 : f32
    %broadcast_in_dim3A_66 = vector.broadcast %broadcast_in_dim3A_65 : f32 to vector<768x7xf32>
    %concatenate3A_67 = tpu.concatenate %broadcast_in_dim3A_58, %transpose3A_56, %broadcast_in_dim3A_60, %broadcast_in_dim3A_62, %broadcast_in_dim3A_64, %broadcast_in_dim3A_66 in 1 : vector<768x24xf32>, vector<768x12xf32>, vector<768x3xf32>, vector<768x1xf32>, vector<768x1xf32>, vector<768x7xf32> -> vector<768x48xf32>
    %swap3A_68 = arith.constant 17920 : index
    %swap3A_69 = arith.constant 0 : index
    %swap3A_70 = vector.load %arg4[%swap3A_68, %swap3A_69] : memref<18688x48xf32, #tpu.memory_space<vmem>>, vector<768x48xf32>
    tpu.vector_store %arg4[%swap3A_68, %swap3A_69], %concatenate3A_67 {strides = array<i32>} : memref<18688x48xf32, #tpu.memory_space<vmem>>, vector<768x48xf32>,
    return
  }
}

module attributes {stable_mosaic.version = 14 : i64} {
  func.func @body(%arg0: memref<12x768xf32, #tpu.memory_space<vmem>>, %arg1: memref<2x768x48xf32, #tpu.memory_space<vmem>>, %arg2: memref<48x256xf32, #tpu.memory_space<vmem>>, %arg3: memref<256x256xf32, #tpu.memory_space<vmem>>, %arg4: memref<256x256xf32, #tpu.memory_space<vmem>>, %arg5: memref<1x256xf32, #tpu.memory_space<vmem>>, %arg6: memref<512x1xf32, #tpu.memory_space<vmem>>, %arg7: memref<512x1xf32, #tpu.memory_space<vmem>>, %arg8: memref<1x2xf32, #tpu.memory_space<vmem>>, %arg9: memref<768x512xf32, #tpu.memory_space<vmem>>, %arg10: memref<1x1xf32, #tpu.memory_space<vmem>>, %arg11: memref<128x768xf32, #tpu.memory_space<vmem>>, %arg12: memref<6x128xf32, #tpu.memory_space<vmem>>, %arg13: memref<6x128xf32, #tpu.memory_space<vmem>>, %arg14: memref<1x128xf32, #tpu.memory_space<vmem>>) attributes {dimension_semantics = [], scalar_prefetch = 0 : i64, scratch_operands = 0 : i64, tpu.core_type = #tpu.core_type<tc>} {
    %get3A = arith.constant 0 : index
    %get3A_0 = arith.constant 0 : index
    %get3A_1 = vector.load %arg0[%get3A, %get3A_0] : memref<12x768xf32, #tpu.memory_space<vmem>>, vector<12x768xf32>
    %transpose3A = tpu.transpose %get3A_1, [1, 0] : vector<12x768xf32> -> vector<768x12xf32>
    %broadcast_in_dim3A = arith.constant 0.000000e+00 : f32
    %broadcast_in_dim3A_2 = vector.broadcast %broadcast_in_dim3A : f32 to vector<768x24xf32>
    %broadcast_in_dim3A_3 = arith.constant 0.000000e+00 : f32
    %broadcast_in_dim3A_4 = vector.broadcast %broadcast_in_dim3A_3 : f32 to vector<768x3xf32>
    %broadcast_in_dim3A_5 = arith.constant 1.000000e+00 : f32
    %broadcast_in_dim3A_6 = vector.broadcast %broadcast_in_dim3A_5 : f32 to vector<768x1xf32>
    %broadcast_in_dim3A_7 = arith.constant 1.000000e+00 : f32
    %broadcast_in_dim3A_8 = vector.broadcast %broadcast_in_dim3A_7 : f32 to vector<768x1xf32>
    %broadcast_in_dim3A_9 = arith.constant 0.000000e+00 : f32
    %broadcast_in_dim3A_10 = vector.broadcast %broadcast_in_dim3A_9 : f32 to vector<768x7xf32>
    %concatenate3A = tpu.concatenate %broadcast_in_dim3A_2, %transpose3A, %broadcast_in_dim3A_4, %broadcast_in_dim3A_6, %broadcast_in_dim3A_8, %broadcast_in_dim3A_10 in 1 : vector<768x24xf32>, vector<768x12xf32>, vector<768x3xf32>, vector<768x1xf32>, vector<768x1xf32>, vector<768x7xf32> -> vector<768x48xf32>
    %get3A_11 = arith.constant 0 : index
    %get3A_12 = arith.constant 0 : index
    %get3A_13 = arith.constant 0 : index
    %get3A_14 = vector.load %arg1[%get3A_11, %get3A_12, %get3A_13] : memref<2x768x48xf32, #tpu.memory_space<vmem>>, vector<1x768x48xf32>
    %get3A_15 = vector.shape_cast %get3A_14 : vector<1x768x48xf32> to vector<768x48xf32>
    %get3A_16 = arith.constant 1 : index
    %get3A_17 = arith.constant 0 : index
    %get3A_18 = arith.constant 0 : index
    %get3A_19 = vector.load %arg1[%get3A_16, %get3A_17, %get3A_18] : memref<2x768x48xf32, #tpu.memory_space<vmem>>, vector<1x768x48xf32>
    %get3A_20 = vector.shape_cast %get3A_19 : vector<1x768x48xf32> to vector<768x48xf32>
    %add3A = arith.addf %get3A_15, %get3A_20 : vector<768x48xf32>
    %get3A_21 = arith.constant 0 : index
    %get3A_22 = arith.constant 0 : index
    %get3A_23 = vector.load %arg2[%get3A_21, %get3A_22] : memref<48x256xf32, #tpu.memory_space<vmem>>, vector<48x256xf32>
    %get3A_24 = arith.constant 0 : index
    %get3A_25 = arith.constant 0 : index
    %get3A_26 = vector.load %arg3[%get3A_24, %get3A_25] : memref<256x256xf32, #tpu.memory_space<vmem>>, vector<256x256xf32>
    %get3A_27 = arith.constant 0 : index
    %get3A_28 = arith.constant 0 : index
    %get3A_29 = vector.load %arg4[%get3A_27, %get3A_28] : memref<256x256xf32, #tpu.memory_space<vmem>>, vector<256x256xf32>
    %iota3A = tpu.iota {dimensions = array<i32: 0>} : vector<48x1xi32>
    %eq3A = arith.constant 40 : i32
    %eq3A_30 = vector.broadcast %eq3A : i32 to vector<48x1xi32>
    %eq3A_31 = arith.cmpi eq, %iota3A, %eq3A_30 : vector<48x1xi32>
    %convert_element_type3A = arith.extui %eq3A_31 : vector<48x1xi1> to vector<48x1xi32>
    %convert_element_type3A_32 = arith.sitofp %convert_element_type3A : vector<48x1xi32> to vector<48x1xf32>
    %dot_general3A = arith.constant dense<0.000000e+00> : vector<768x1xf32>
    %dot_general3A_33 = tpu.matmul %add3A, %convert_element_type3A_32, %dot_general3A {dimension_numbers = #tpu.dot_dimension_numbers<[1], [0], [0], [1], [0, 0, 1, 1], [], []>, precision = #tpu.contract_precision<fp32>, transpose_lhs_hint = false} : vector<768x48xf32>, vector<48x1xf32>, vector<768x1xf32> -> vector<768x1xf32>
    %max3A = arith.constant 1.000000e+00 : f32
    %max3A_34 = vector.broadcast %max3A : f32 to vector<768x1xf32>
    %max3A_35 = arith.maximumf %dot_general3A_33, %max3A_34 : vector<768x1xf32>
    %gt3A = arith.constant 0.000000e+00 : f32
    %gt3A_36 = vector.broadcast %gt3A : f32 to vector<768x1xf32>
    %gt3A_37 = arith.cmpf ogt, %dot_general3A_33, %gt3A_36 : vector<768x1xf32>
    %convert_element_type3A_38 = arith.extui %gt3A_37 : vector<768x1xi1> to vector<768x1xi32>
    %convert_element_type3A_39 = arith.sitofp %convert_element_type3A_38 : vector<768x1xi32> to vector<768x1xf32>
    %dot_general3A_40 = arith.constant dense<0.000000e+00> : vector<48x256xf32>
    %dot_general3A_41 = tpu.matmul %get3A_23, %get3A_29, %dot_general3A_40 {dimension_numbers = #tpu.dot_dimension_numbers<[1], [0], [0], [1], [0, 0, 1, 1], [], []>, precision = #tpu.contract_precision<fp32>, transpose_lhs_hint = false} : vector<48x256xf32>, vector<256x256xf32>, vector<48x256xf32> -> vector<48x256xf32>
    %sub3A = arith.subf %get3A_26, %get3A_29 : vector<256x256xf32>
    %dot_general3A_42 = arith.constant dense<0.000000e+00> : vector<48x256xf32>
    %dot_general3A_43 = tpu.matmul %get3A_23, %sub3A, %dot_general3A_42 {dimension_numbers = #tpu.dot_dimension_numbers<[1], [0], [0], [1], [0, 0, 1, 1], [], []>, precision = #tpu.contract_precision<fp32>, transpose_lhs_hint = false} : vector<48x256xf32>, vector<256x256xf32>, vector<48x256xf32> -> vector<48x256xf32>
    %div3A = vector.broadcast %max3A_35 : vector<768x1xf32> to vector<768x48xf32>
    %div3A_44 = arith.divf %add3A, %div3A : vector<768x48xf32>
    %dot_general3A_45 = arith.constant dense<0.000000e+00> : vector<768x256xf32>
    %dot_general3A_46 = tpu.matmul %div3A_44, %dot_general3A_41, %dot_general3A_45 {dimension_numbers = #tpu.dot_dimension_numbers<[1], [0], [0], [1], [0, 0, 1, 1], [], []>, transpose_lhs_hint = false} : vector<768x48xf32>, vector<48x256xf32>, vector<768x256xf32> -> vector<768x256xf32>
    %dot_general3A_47 = arith.constant dense<0.000000e+00> : vector<768x256xf32>
    %dot_general3A_48 = tpu.matmul %concatenate3A, %dot_general3A_43, %dot_general3A_47 {dimension_numbers = #tpu.dot_dimension_numbers<[1], [0], [0], [1], [0, 0, 1, 1], [], []>, transpose_lhs_hint = false} : vector<768x48xf32>, vector<48x256xf32>, vector<768x256xf32> -> vector<768x256xf32>
    %get3A_49 = arith.constant 0 : index
    %get3A_50 = arith.constant 0 : index
    %get3A_51 = vector.load %arg5[%get3A_49, %get3A_50] : memref<1x256xf32, #tpu.memory_space<vmem>>, vector<1x256xf32>
    %add3A_52 = vector.broadcast %get3A_51 : vector<1x256xf32> to vector<768x256xf32>
    %add3A_53 = arith.addf %dot_general3A_48, %add3A_52 : vector<768x256xf32>
    %mul3A = vector.broadcast %convert_element_type3A_39 : vector<768x1xf32> to vector<768x256xf32>
    %mul3A_54 = arith.mulf %mul3A, %add3A_53 : vector<768x256xf32>
    %add3A_55 = arith.addf %dot_general3A_46, %mul3A_54 : vector<768x256xf32>
    %max3A_56 = arith.constant 0.000000e+00 : f32
    %max3A_57 = vector.broadcast %max3A_56 : f32 to vector<768x256xf32>
    %max3A_58 = arith.maximumf %add3A_55, %max3A_57 : vector<768x256xf32>
    %dot_general3A_59 = arith.constant dense<0.000000e+00> : vector<768x256xf32>
    %dot_general3A_60 = tpu.matmul %concatenate3A, %get3A_23, %dot_general3A_59 {dimension_numbers = #tpu.dot_dimension_numbers<[1], [0], [0], [1], [0, 0, 1, 1], [], []>, transpose_lhs_hint = false} : vector<768x48xf32>, vector<48x256xf32>, vector<768x256xf32> -> vector<768x256xf32>
    %concatenate3A_61 = tpu.concatenate %max3A_58, %dot_general3A_60 in 1 : vector<768x256xf32>, vector<768x256xf32> -> vector<768x512xf32>
    %get3A_62 = arith.constant 0 : index
    %get3A_63 = arith.constant 0 : index
    %get3A_64 = vector.load %arg6[%get3A_62, %get3A_63] : memref<512x1xf32, #tpu.memory_space<vmem>>, vector<512x1xf32>
    %dot_general3A_65 = arith.constant dense<0.000000e+00> : vector<768x1xf32>
    %dot_general3A_66 = tpu.matmul %concatenate3A_61, %get3A_64, %dot_general3A_65 {dimension_numbers = #tpu.dot_dimension_numbers<[1], [0], [0], [1], [0, 0, 1, 1], [], []>, transpose_lhs_hint = false} : vector<768x512xf32>, vector<512x1xf32>, vector<768x1xf32> -> vector<768x1xf32>
    %get3A_67 = arith.constant 0 : index
    %get3A_68 = arith.constant 0 : index
    %get3A_69 = vector.load %arg8[%get3A_67, %get3A_68] : memref<1x2xf32, #tpu.memory_space<vmem>>, vector<1x1xf32>
    %get3A_70 = vector.extract %get3A_69[0, 0] : f32 from vector<1x1xf32>
    %add3A_71 = vector.broadcast %get3A_70 : f32 to vector<768x1xf32>
    %add3A_72 = arith.addf %dot_general3A_66, %add3A_71 : vector<768x1xf32>
    %reshape3A = vector.shape_cast %add3A_72 : vector<768x1xf32> to vector<128x6xf32>
    %transpose3A_73 = tpu.transpose %reshape3A, [1, 0] : vector<128x6xf32> -> vector<6x128xf32>
    %swap3A = arith.constant 0 : index
    %swap3A_74 = arith.constant 0 : index
    %swap3A_75 = vector.load %arg12[%swap3A, %swap3A_74] : memref<6x128xf32, #tpu.memory_space<vmem>>, vector<6x128xf32>
    tpu.vector_store %arg12[%swap3A, %swap3A_74], %transpose3A_73 {strides = array<i32>} : memref<6x128xf32, #tpu.memory_space<vmem>>, vector<6x128xf32>,
    %get3A_76 = arith.constant 0 : index
    %get3A_77 = arith.constant 0 : index
    %get3A_78 = vector.load %arg7[%get3A_76, %get3A_77] : memref<512x1xf32, #tpu.memory_space<vmem>>, vector<512x1xf32>
    %dot_general3A_79 = arith.constant dense<0.000000e+00> : vector<768x1xf32>
    %dot_general3A_80 = tpu.matmul %concatenate3A_61, %get3A_78, %dot_general3A_79 {dimension_numbers = #tpu.dot_dimension_numbers<[1], [0], [0], [1], [0, 0, 1, 1], [], []>, transpose_lhs_hint = false} : vector<768x512xf32>, vector<512x1xf32>, vector<768x1xf32> -> vector<768x1xf32>
    %get3A_81 = arith.constant 0 : index
    %get3A_82 = arith.constant 1 : index
    %get3A_83 = vector.load %arg8[%get3A_81, %get3A_82] : memref<1x2xf32, #tpu.memory_space<vmem>>, vector<1x1xf32>
    %get3A_84 = vector.extract %get3A_83[0, 0] : f32 from vector<1x1xf32>
    %add3A_85 = vector.broadcast %get3A_84 : f32 to vector<768x1xf32>
    %add3A_86 = arith.addf %dot_general3A_80, %add3A_85 : vector<768x1xf32>
    %max3A_87 = arith.constant 0.000000e+00 : f32
    %max3A_88 = vector.broadcast %max3A_87 : f32 to vector<768x1xf32>
    %max3A_89 = arith.maximumf %add3A_86, %max3A_88 : vector<768x1xf32>
    %abs3A = math.absf %add3A_86 : vector<768x1xf32>
    %neg3A = arith.constant 0.000000e+00 : f32
    %neg3A_90 = vector.broadcast %neg3A : f32 to vector<768x1xf32>
    %neg3A_91 = arith.subf %neg3A_90, %abs3A : vector<768x1xf32>
    %exp3A = math.exp %neg3A_91 : vector<768x1xf32>
    %add3A_92 = arith.constant 1.000000e+00 : f32
    %add3A_93 = vector.broadcast %add3A_92 : f32 to vector<768x1xf32>
    %add3A_94 = arith.addf %add3A_93, %exp3A : vector<768x1xf32>
    %log3A = math.log %add3A_94 : vector<768x1xf32>
    %add3A_95 = arith.addf %max3A_89, %log3A : vector<768x1xf32>
    %reshape3A_96 = vector.shape_cast %add3A_95 : vector<768x1xf32> to vector<128x6xf32>
    %transpose3A_97 = tpu.transpose %reshape3A_96, [1, 0] : vector<128x6xf32> -> vector<6x128xf32>
    %swap3A_98 = arith.constant 0 : index
    %swap3A_99 = arith.constant 0 : index
    %swap3A_100 = vector.load %arg13[%swap3A_98, %swap3A_99] : memref<6x128xf32, #tpu.memory_space<vmem>>, vector<6x128xf32>
    tpu.vector_store %arg13[%swap3A_98, %swap3A_99], %transpose3A_97 {strides = array<i32>} : memref<6x128xf32, #tpu.memory_space<vmem>>, vector<6x128xf32>,
    %get3A_101 = arith.constant 0 : index
    %get3A_102 = arith.constant 0 : index
    %get3A_103 = vector.load %arg9[%get3A_101, %get3A_102] : memref<768x512xf32, #tpu.memory_space<vmem>>, vector<768x512xf32>
    %mul3A_104 = arith.mulf %concatenate3A_61, %get3A_103 : vector<768x512xf32>
    %reduce_sum3A = arith.constant dense<0.000000e+00> : vector<768xf32>
    %reduce_sum3A_105 = vector.multi_reduction <add>, %mul3A_104, %reduce_sum3A [1] : vector<768x512xf32> to vector<768xf32>
    %broadcast_in_dim3A_106 = vector.shape_cast %reduce_sum3A_105 : vector<768xf32> to vector<768x1xf32>
    %get3A_107 = arith.constant 0 : index
    %get3A_108 = arith.constant 0 : index
    %get3A_109 = vector.load %arg11[%get3A_107, %get3A_108] : memref<128x768xf32, #tpu.memory_space<vmem>>, vector<128x768xf32>
    %dot_general3A_110 = arith.constant dense<0.000000e+00> : vector<128x1xf32>
    %dot_general3A_111 = tpu.matmul %get3A_109, %broadcast_in_dim3A_106, %dot_general3A_110 {dimension_numbers = #tpu.dot_dimension_numbers<[1], [0], [0], [1], [0, 0, 1, 1], [], []>, transpose_lhs_hint = false} : vector<128x768xf32>, vector<768x1xf32>, vector<128x1xf32> -> vector<128x1xf32>
    %get3A_112 = arith.constant 0 : index
    %get3A_113 = arith.constant 0 : index
    %get3A_114 = vector.load %arg10[%get3A_112, %get3A_113] : memref<1x1xf32, #tpu.memory_space<vmem>>, vector<1x1xf32>
    %get3A_115 = vector.extract %get3A_114[0, 0] : f32 from vector<1x1xf32>
    %add3A_116 = vector.broadcast %get3A_115 : f32 to vector<128x1xf32>
    %add3A_117 = arith.addf %dot_general3A_111, %add3A_116 : vector<128x1xf32>
    %transpose3A_118 = tpu.transpose %add3A_117, [1, 0] : vector<128x1xf32> -> vector<1x128xf32>
    %swap3A_119 = arith.constant 0 : index
    %swap3A_120 = arith.constant 0 : index
    %swap3A_121 = vector.load %arg14[%swap3A_119, %swap3A_120] : memref<1x128xf32, #tpu.memory_space<vmem>>, vector<1x128xf32>
    tpu.vector_store %arg14[%swap3A_119, %swap3A_120], %transpose3A_118 {strides = array<i32>} : memref<1x128xf32, #tpu.memory_space<vmem>>, vector<1x128xf32>,
    return
  }
}

</mosaic_0001>

<sc_bundles>
// kernel: kernel.5.cloned.1.call-start
scs
__scs_entry_jumppad:
0x0: {  	(pc) =	sbr.rel $0x88, $3  }
0x1: {  	(tag) =	ssettag $0x0;
	lr =	simm.s32 $0x1  }
0x2: {  	[smem:$0x3F8E] =	sst lr;
	_ =	strace $0xD0000000  }
0x3: {  	_ = 	snop  }
0x4: {  	_ = 	snop  }
0x5: {  	_ = 	snop  }
0x6: {  	_ = 	snop  }
0x7: {  	_ = 	snop  }
__scs_overlays_trampoline_lowered:
0x8: {  	[smem:$0x3F9D] =	sst s0  }
0x9: {  	[smem:$0x3F9E] =	sst s1  }
0xa: {  	[smem:$0x3F9F] =	sst s2  }
0xb: {  	[smem:$0x3FA0] =	sst s3  }
0xc: {  	[smem:$0x3FA1] =	sst s4  }
0xd: {  	[smem:$0x3FA2] =	sst s5  }
0xe: {  	[smem:$0x3FA3] =	sst s6  }
0xf: {  	[smem:$0x3FA4] =	sst s7  }
0x10: {  	[smem:$0x3FA5] =	sst s8  }
0x11: {  	[smem:$0x3FA6] =	sst s9;
	s0 =	simm.s32 @!p0 $0x0  }
0x12: {  	s1 =	sld [smem:$0x3F8C];
	s0 =	simm.s32 @p0 $0x1  }
0x13: {  	[smem:$0x3FA7] =	sst s0;
	s0 =	simm.s32 @!p1 $0x0  }
0x14: {  	s2 =	sld [smem:$0x3F8B];
	s0 =	simm.s32 @p1 $0x1  }
0x15: {  	[smem:$0x3FA8] =	sst s0;
	s0 =	simm.s32 @!p2 $0x0  }
0x16: {  	s3 =	sld [smem:$0x3FDB];
	s0 =	simm.s32 @p2 $0x1  }
0x17: {  	s4 =	simm.s32 $0x1BF5;
	[smem:$0x3FAA] =	sst s0  }
0x18: {  	s0 =	sld [smem:$0x3F8D];
	_ =	swait.ge [sflag:s4], $0x0  }
0x19: {  	s7 =	sld [smem:$0x3F8E]  }
0x1a: {  	s8 =	sadd.s32 $0xFFFFE003, lr  }
0x1b: {  	s9 =	sadd.s32 $0xFFFFFEF7, lr;
	s5 =	simm.s32 $0xFFFFFFFF;
	p2 =	slt.u32 s8, $0xFFFFF086  }
0x1c: {  	p1 =	slt.u32 s9, $0xF7A;
	s5 =	simm.s32 @!p2 $0x0  }
0x1d: {  	s5 =	simm.s32 @p1 $0x1;
	p0 =	seq.s32 s7, s2  }
0x1e: {  	s7 =	smul.u32 @!p0 $0xF7A, s2;
	p2 =	seq.s32 @!p0 s5, $0x0  }
0x1f: {  	s9 =	smul.u32 $0xF7A, s1;
	s8 =	simm.s32 @!p0 $0x1BF5;
	p2 =	por !p2, p0  }
0x20: {  	[sflag:s8] =	ssyncset.s32 @!p0 $0xFFFFF086;
	s6 =	sadd.s32 @!p0 s3, s7;
	s7 =	simm.s32 @!p0 $0x108  }
0x21: {  	s3 =	sadd.s32 s3, s9;
	s6 =	sadd.s32 @!p0 $0x88, s6;
	s7 =	simm.s32 @p2 $0x1082  }
0x22: {  	[simem:s7], [sflag:s8] =	dma.local @!p0 [hbm:s6], $0xF7A  }
0x23: {  	s9 =	sor.u32 $0xD0000000, s2;
	s6 =	simm.s32 $0x108;
	_ =	swait.ge @!p0 [sflag:s8], $0x0  }
0x24: {  	s3 =	sadd.s32 $0x88, s3;
	s6 =	simm.s32 @!p1 $0x1082;
	[sflag:s4] =	ssyncset.s32 $0xFFFFF086  }
0x25: {  	[simem:s6], [sflag:s4] =	dma.local [hbm:s3], $0xF7A  }
0x26: {  	[smem:$0x3F8E] =	sst s1;
	(tag) =	ssettag s2;
	_ =	strace s9  }
0x27: {  	s1 =	sld [smem:$0x3F9E]  }
0x28: {  	s2 =	sld [smem:$0x3F9F]  }
0x29: {  	s4 =	sld [smem:$0x3FA1]  }
0x2a: {  	p0 =	seq.s32 s5, $0x0;
	s5 =	sld [smem:$0x3FA2]  }
0x2b: {  	s6 =	sld [smem:$0x3FA3]  }
0x2c: {  	s7 =	sld [smem:$0x3FA4]  }
0x2d: {  	s3 =	simm.s32 $0x108;
	s8 =	sld [smem:$0x3FA5]  }
0x2e: {  	s3 =	simm.s32 @!p0 $0x1082;
	s9 =	sld [smem:$0x3FA6]  }
0x2f: {  	lr =	sadd.s32 s0, s3;
	s0 =	sld [smem:$0x3F9D]  }
0x30: {  	s3 =	sld [smem:$0x3FA0]  }
0x31: {  	[smem:$0x3FA9] =	sst s10  }
0x32: {  	s10 =	sld [smem:$0x3FA7];
	_ =	sdelay $0x3  }
0x33: {  	p0 =	seq.s32 s10, $0x1;
	s10 =	sld [smem:$0x3FA9];
	_ =	sdelay $0x3  }
0x34: {  	[smem:$0x3FA9] =	sst s10  }
0x35: {  	s10 =	sld [smem:$0x3FA8];
	_ =	sdelay $0x3  }
0x36: {  	p1 =	seq.s32 s10, $0x1;
	s10 =	sld [smem:$0x3FA9];
	_ =	sdelay $0x3  }
0x37: {  	[smem:$0x3FA9] =	sst s10  }
0x38: {  	s10 =	sld [smem:$0x3FAA]  }
0x39: {  	_ = 	snop;
	(pc) =	sbr.ind lr, $3  }
0x3a: {  	_ = 	snop  }
0x3b: {  	_ = 	snop  }
0x3c: {  	p2 =	seq.s32 s10, $0x1;
	s10 =	sld [smem:$0x3FA9]  }
0x3d: {  	_ =	shalt  }
0x3e: {  	_ =	shalt  }
0x3f: {  	_ =	shalt  }
0x40: {  	_ =	shalt  }
0x41: {  	_ =	shalt  }
0x42: {  	_ =	shalt  }
0x43: {  	_ =	shalt  }
0x44: {  	_ =	shalt  }
0x45: {  	_ =	shalt  }
0x46: {  	_ =	shalt  }
0x47: {  	_ =	shalt  }
0x48: {  	_ =	shalt  }
0x49: {  	_ =	shalt  }
0x4a: {  	_ =	shalt  }
0x4b: {  	_ =	shalt  }
0x4c: {  	_ =	shalt  }
0x4d: {  	_ =	shalt  }
0x4e: {  	_ =	shalt  }
0x4f: {  	_ =	shalt  }
0x50: {  	_ =	shalt  }
0x51: {  	_ =	shalt  }
0x52: {  	_ =	shalt  }
0x53: {  	_ =	shalt  }
0x54: {  	_ =	shalt  }
0x55: {  	_ =	shalt  }
0x56: {  	_ =	shalt  }
0x57: {  	_ =	shalt  }
0x58: {  	_ =	shalt  }
0x59: {  	_ =	shalt  }
0x5a: {  	_ =	shalt  }
0x5b: {  	_ =	shalt  }
0x5c: {  	_ =	shalt  }
0x5d: {  	_ =	shalt  }
0x5e: {  	_ =	shalt  }
0x5f: {  	_ =	shalt  }
0x60: {  	_ =	shalt  }
0x61: {  	_ =	shalt  }
0x62: {  	_ =	shalt  }
0x63: {  	_ =	shalt  }
0x64: {  	_ =	shalt  }
0x65: {  	_ =	shalt  }
0x66: {  	_ =	shalt  }
0x67: {  	_ =	shalt  }
0x68: {  	_ =	shalt  }
0x69: {  	_ =	shalt  }
0x6a: {  	_ =	shalt  }
0x6b: {  	_ =	shalt  }
0x6c: {  	_ =	shalt  }
0x6d: {  	_ =	shalt  }
0x6e: {  	_ =	shalt  }
0x6f: {  	_ =	shalt  }
0x70: {  	_ =	shalt  }
0x71: {  	_ =	shalt  }
0x72: {  	_ =	shalt  }
0x73: {  	_ =	shalt  }
0x74: {  	_ =	shalt  }
0x75: {  	_ =	shalt  }
0x76: {  	_ =	shalt  }
0x77: {  	_ =	shalt  }
0x78: {  	_ =	shalt  }
0x79: {  	_ =	shalt  }
0x7a: {  	_ =	shalt  }
0x7b: {  	_ =	shalt  }
0x7c: {  	_ =	shalt  }
0x7d: {  	_ =	shalt  }
0x7e: {  	_ =	shalt  }
0x7f: {  	_ =	shalt  }
0x80: {  	_ =	shalt  }
0x81: {  	_ =	shalt  }
0x82: {  	_ =	shalt  }
0x83: {  	_ =	shalt  }
0x84: {  	_ =	shalt  }
0x85: {  	_ =	shalt  }
0x86: {  	_ =	shalt  }
0x87: {  	_ =	shalt  }
.Lfunc_end0:
.L_simem_size_0:
called_computation_lowered:
.L_overlay_start_0:
0x88: {  	s2 =	sld [smem:$0x3FD9]  }
0x89: {  	s3 =	sld [smem:$0x3FFE];
	_ =	sdelay $0x1  }
0x8a: {  	s1 =	srdreg.scid  }
0x8b: {  	s0 =	sand.u32 $0x1, s1  }
0x8c: {  	s16 =	sshll.u32 s0, $0xA;
	s2 =	sadd.s32 s3, s2  }
0x8d: {  	s2 =	sadd.s32 s2, s16  }
0x8e: {  	[smem:$0x3FB5] =	sst s2  }
0x8f: {  	_ = 	snop  }
0x90: {  	(tm) =	ssettm $0x1  }
0x91: {  	s17 =	sld [smem:$0x3FFB];
	_ =	sdelay $0x3  }
0x92: {  	_ =	strace s17  }
0x93: {  	s2 =	sld [smem:$0x3FFC];
	_ =	sdelay $0x3  }
0x94: {  	_ =	strace s2  }
0x95: {  	s2 =	sld [smem:$0x3FFD];
	_ =	sdelay $0x3  }
0x96: {  	_ =	strace s2  }
0x97: {  	_ =	strace $0x8FFFFFFF  }
0x98: {  	s18 =	sld [smem:$0x3FDB];
	_ =	sdelay $0x1  }
0x99: {  	s19 =	simm.s32 $_scs_section_size  }
0x9a: {  	s4 =	simm.s32 $_size__tile_overlayer_lowered;
	s5 =	simm.s32 $_tile_overlayer_lowered  }
0x9b: {  	s22 =	simm.s32 $0x1BFF;
	s21 =	sshll.u32 s5, $0x1;
	s2 =	sadd.s32 s19, s18  }
0x9c: {  	s6 =	simm.s32 $0x0;
	s20 =	sshll.u32 s4, $0x1;
	s4 =	sadd.s32 s21, s2  }
0x9d: {  	[timem:s6], [sflag:s22] =	dma.local [hbm:s4], s20  }
0x9e: {  	_ =	swait.ge [sflag:s22], s20  }
0x9f: {  	s3 =	ssub.s32 $0x0, s20;
	[sflag:s22] =	ssyncset.done $0x0  }
0xa0: {  	[sflag:s22] =	ssyncadd.s32 s3;
	_ =	sdelay $0x1  }
0xa1: {  	s23 =	simm.s32 $0x1B8B  }
0xa2: {  	_ =	swait.ge [sflag:s23], $0x1  }
0xa3: {  	[sflag:s23] =	ssyncset.done $0x0  }
0xa4: {  	s25 =	simm.s32 $0x1B8E;
	s24 =	sld [smem:$0x3FFE];
	[sflag:s23] =	ssyncadd.s32 $0xFFFFFFFF  }
0xa5: {  	s26 =	simm.s32 $execute0_lowered;
	[smem:$0x3FD2] =	sst s25  }
0xa6: {  	s4 =	sshll.u32 s26, $0x1;
	_ =	strace $0x80000046;
	[dreg:$0x1] =	wrdreg $0xFFFFFFFF  }
0xa7: {  	s28 =	simm.s32 $_size_execute0_lowered;
	s2 =	sadd.s32 s2, s4;
	[dreg:$0x0] =	wrdreg $0x0  }
0xa8: {  	s4 =	sshll.u32 s28, $0x1;
	[dreg:$0x2] =	wrdreg s2  }
0xa9: {  	[dreg:$0x3] =	wrdreg s4  }
0xaa: {  	[dreg:$0x4] =	wrdreg $0xC0  }
0xab: {  	_ =	task [dreg:s6], $0x5FFFF  }
0xac: {  	[dreg:$0x1] =	wrdreg $0xFFFFFFFF  }
0xad: {  	[dreg:$0x0] =	wrdreg $0x60  }
0xae: {  	[dreg:$0x2] =	wrdreg s24  }
0xaf: {  	[dreg:$0x3] =	wrdreg $0xB3000  }
0xb0: {  	[dreg:$0x4] =	wrdreg $0x9  }
0xb1: {  	_ =	task.clear_ibuf [dreg:s6], $0x5FFFF;
	_ =	strace $0x90000046  }
0xb2: {  	s29 =	simm.s32 $0x9;
	_ =	strace $0x80000048  }
0xb3: {  	_ =	swait.ge [sflag:s29], $0x1  }
0xb4: {  	[sflag:s29] =	ssyncadd.s32 $0xFFFFFFFF  }
0xb5: {  	_ =	strace $0x90000048  }
0xb6: {  	_ =	sfence  }
0xb7: {  	s30 =	sld [smem:$0x0];
	_ =	sdelay $0x2  }
0xb8: {  	s31 =	sshll.u32 s1, $0xD;
	s1 =	sshrl.u32 s1, $0x2  }
0xb9: {  	s3 =	sand.u32 $0x4000, s31;
	s1 =	sadd.s32 s1, s30  }
0xba: {  	s0 =	sor.u32 s3, s0;
	s1 =	sshll.u32 s1, $0x11  }
0xbb: {  	s0 =	sor.u32 s1, s0  }
0xbc: {  	s0 =	sadd.s32 $0x8F2B, s0  }
0xbd: {  	[sflag:s0] =	ssyncadd.remote.s32 $0x1  }
0xbe: {  	_ =	sfence.sel $0xFFFF  }
0xbf: {  	[dreg:$0x0] =	wrdreg $0xFFFFFFFF;
	(pc) =	sbr.abs _section_cstart, $3  }
0xc0: {  	[dreg:$0x1] =	wrdreg $0xFFFFFFFF  }
0xc1: {  	_ =	task.clear_ibuf [dreg:s6], $0x2FFFF;
	_ =	strace $0x9FFFFFFF  }
0xc2: {  	(tm) =	ssettm $0x7FFFFFFF  }
0xc3: {  	_ =	shalt  }
tec
execute0_lowered:
.L_overlay_start_1:
0x0: {  	(tag) =	ssettag $0x1  }
0x1: {  	s0 =	srdreg.scid;
	s8 =	rddreg [dreg:$0x0]  }
0x2: {  	s1 =	rddreg [dreg:$0x1];
	s9 =	stileid.u32;
	s2 =	simm.s32 $0x0  }
0x3: {  	s15 =	simm.s32 $0x1;
	s3 =	sand.u32 $0x1, s0;
	s0 =	rddreg [dreg:$0x2]  }
0x4: {  	s16 =	simm.s32 $0x80;
	s17 =	simm.s32 $0x9200;
	[smem:$0x7FF] =	sst s2  }
0x5: {  	s10 =	smul.u32 $0x900, s9;
	s14 =	sadd.s32 $0x27400, s8;
	p0 =	sne.s32 s9, $0x0  }
0x6: {  	s4 =	sshll.u32 s3, $0x4;
	_ =	strace $0x80000047;
	s5 =	smul.u32 $0x1200, s3  }
0x7: {  	s6 =	ssub.s32 $0x2, s3;
	s3 =	sadd.s32 $0x2C00, s8;
	s4 =	sor.u32 s9, s4  }
0x8: {  	s11 =	sshrl.u32 s6, $0x1;
	s19 =	sshrl.u32 s10, $0x3;
	s9 =	simm.s32 $0xAA00  }
0x9: {  	s12 =	smul.u32 $0x490, s4;
	s4 =	sadd.s32 $0x30600, s8;
	s13 =	sadd.s32 s5, s8  }
.Ltmp0:
0xa: {  	s11 =	ssub.s32 s6, s11;
	s5 =	sadd.s32 s10, s1;
	(pc) =	sbr.rel .LBB2_1-.Ltmp0, $4  }
0xb: {  	s6 =	sadd.s32 $0x9000, s1;
	s10 =	simm.s32 $0x2;
	s18 =	sadd.s32 $0x30800, s13  }
0xc: {  	s13 =	simm.s32 $0x4900;
	s7 =	sadd.s32 s12, s8;
	s8 =	smax.u32 s11, $0x1  }
0xd: {  	s11 =	simm.s32 $0x2480;
	s12 =	sadd.s32 s12, s14;
	s14 =	simm.s32 $0x6D80  }
0xe: {  	v0 =	vimm.s32 $0x0;
	v1 =	vlaneseq.u32;
	v2 =	vimm.s32 $0x300;
	s18 =	sadd.s32 s19, s18;
	s19 =	simm.s32 $0x0;
	s7 =	sadd.s32 $0x1E200, s7  }
.LBB2_14:
0xf: {  	[sflag:s10] =	ssyncadd.s32 $0xFFFFE800  }
.LBB2_15:
0x10: {  	[bflag:$0x0] =	sbarrier.arrive $0xFFFF  }
0x11: {  	[tilespmem:s9], [sflag:$0x2] =	stream.linear.gather [spmem:s5], $0x900, $0x38;
	[tilespmem:$0xBC30] =	vst v63  }
0x12: {  	s19 =	sadd.s32 $0x1, s19;
	_ =	swait.ge [sflag:s10], $0x900  }
0x13: {  	p1 =	sne.s32 s19, s8;
	[sflag:s10] =	ssyncset.done $0x0  }
.Ltmp1:
0x14: {  	[sflag:s10] =	ssyncadd.s32 $0xFFFFF700;
	(pc) =	sbr.rel @!p1 .LBB2_16-.Ltmp1, $4  }
0x15: {  	[hbm4b:s18+s2] =	stream.linear.scatter [tilespmem:s9], [sflag:$0x2], $0x900, $0x38;
	[tilespmem:$0xBC30] =	vst v63  }
0x16: {  	_ =	swait.ge [sflag:s10], $0x900  }
0x17: {  	[sflag:s10] =	ssyncset.done $0x0  }
0x18: {  	[sflag:s10] =	ssyncadd.s32 $0xFFFFF700  }
.LBB2_1:
0x19: {  	[tilespmem:s9], [sflag:$0x2] =	stream.linear.gather [hbm4b:s4+s2], $0x900, $0x38;
	[tilespmem:$0xBC30] =	vst v63  }
0x1a: {  	_ =	swait.ge [sflag:s10], $0x900  }
0x1b: {  	[sflag:s10] =	ssyncset.done $0x0  }
0x1c: {  	[sflag:s10] =	ssyncadd.s32 $0xFFFFF700  }
0x1d: {  	[spmem:s5] =	stream.linear.scatter [tilespmem:s9], [sflag:$0x2], $0x900, $0x38;
	[tilespmem:$0xBC30] =	vst v63  }
0x1e: {  	_ =	swait.ge [sflag:s10], $0x900  }
0x1f: {  	[sflag:s10] =	ssyncset.done $0x0  }
0x20: {  	s20 =	simm.s32 @!p0 $0xAA00;
	[sflag:s10] =	ssyncadd.s32 $0xFFFFF700  }
0x21: {  	[spmem:s6] =	stream.linear.scatter @!p0 [tilespmem:s20], [sflag:$0x2], $0x300, $0x38;
	[tilespmem:$0xBC30] =	vst v63  }
0x22: {  	s20 =	simm.s32 @!p0 $0x2  }
0x23: {  	_ =	swait.ge @!p0 [sflag:s20], $0x300  }
0x24: {  	[sflag:s20] =	ssyncset.done @!p0 $0x0  }
0x25: {  	[sflag:s20] =	ssyncadd.s32 @!p0 $0xFFFFFD00  }
0x26: {  	[bflag:$0x0] =	sbarrier.arrive $0xFFFF  }
0x27: {  	[tilespmem:s11], [sflag:$0x2] =	stream.linear.gather [hbm4b:s7+s2], $0x2480, $0x38;
	[tilespmem:$0xBC30] =	vst v63  }
0x28: {  	_ =	swait.ge [sflag:s10], $0x2480  }
0x29: {  	[sflag:s10] =	ssyncset.done $0x0  }
0x2a: {  	[sflag:s10] =	ssyncadd.s32 $0xFFFFDB80  }
0x2b: {  	[tilespmem:s2], [sflag:$0x2] =	stream.linear.gather [hbm4b:s12+s2], $0x2480, $0x38;
	[tilespmem:$0xBC30] =	vst v63  }
0x2c: {  	_ =	swait.ge [sflag:s10], $0x2480  }
0x2d: {  	[sflag:s10] =	ssyncset.done $0x0  }
0x2e: {  	s30 =	simm.s32 $0x40;
	[sflag:s10] =	ssyncadd.s32 $0xFFFFDB80  }
0x2f: {  	v5 =	vld [tilespmem:s30+$0xFFFFFFC0]  }
0x30: {  	v8 =	vld [tilespmem:s30+$0x30]  }
0x31: {  	v10 =	vld [tilespmem:s30+$0xFFFFFFE0]  }
0x32: {  	v11 =	vld [tilespmem:s30+$0xFFFFFFD0]  }
0x33: {  	v4 =	vld [tilespmem:s30+$0xFFFFFFF0];
	_ =	sdelay $0x1  }
0x34: {  	v12 =	vld [tilespmem:s30+$0x10]  }
0x35: {  	v13 =	vld [tilespmem:s30+$0x0];
	vm3 =	vgt.s32 v5, $0x45FF  }
0x36: {  	v15 =	vld [tilespmem:s30+$0x20];
	vm6 =	vgt.s32 v10, $0x45FF;
	vm2 =	vgt.s32 v8, $0x45FF;
	v3 =	vmpcnt.ones.xlane vm3  }
0x37: {  	vm0 =	vgt.s32 v11, $0x45FF;
	vm1 =	vgt.s32 v4, $0x45FF;
	v6 =	vsel vm3, $0x1, v0  }
0x38: {  	v7 =	vsel vm1, $0x1, v0;
	(xrf0) =	vadd.scan.msk.s32 $0xffff, v6;
	v14 =	vadd.s32 v0, v3;
	v3 =	vmpcnt.ones.xlane vm0  }
0x39: {  	vm7 =	vgt.s32 v12, $0x45FF;
	v9 =	vmpcnt.ones.xlane vm6;
	v6 =	vsel vm2, $0x1, v0;
	(xrf0) =	vadd.scan.msk.s32 $0xffff, v7  }
0x3a: {  	vm4 =	vgt.s32 v13, $0x45FF;
	(xrf0) =	vadd.scan.msk.s32 $0xffff, v6;
	v16 =	vadd.s32 v14, v3;
	v3 =	vsel vm7, $0x1, v0  }
0x3b: {  	vm5 =	vgt.s32 v15, $0x45FF;
	v7 =	vsel vm0, $0x1, v0;
	v6 =	vadd.s32 v16, v9;
	(xrf0) =	vadd.scan.msk.s32 $0xffff, v3  }
0x3c: {  	v9 =	vmpcnt.ones.xlane vm1;
	v3 =	vsel vm6, $0x1, v0;
	(xrf0) =	vadd.scan.msk.s32 $0xffff, v7;
	v7 =	vmpcnt.ones.xlane vm7  }
0x3d: {  	v18 =	vmpcnt.ones.xlane vm4;
	v20 =	vmpcnt.ones.xlane vm5  }
0x3e: {  	v9 =	vadd.s32 v6, v9  }
0x3f: {  	(xrf0) =	vadd.scan.msk.s32 $0xffff, v3;
	v3, _, _ =	vpop (xrf0);
	v18 =	vadd.s32 v9, v18  }
0x40: {  	s31 =	simm.s32 $0x24C0;
	v17 =	vsel vm4, $0x1, v0;
	v22 =	vadd.s32 v18, v7;
	v7, _, _ =	vpop (xrf0)  }
0x41: {  	v23 =	vld [tilespmem:s31+$0xFFFFFFC0];
	(xrf0) =	vadd.scan.msk.s32 $0xffff, v17;
	v6 =	vadd.s32 v7, v6;
	v7 =	vadd.s32 v22, v20;
	v20, _, _ =	vpop (xrf0)  }
0x42: {  	v25 =	vld [tilespmem:s31+$0x30];
	v21 =	vmpcnt.ones.xlane vm2;
	v20 =	vadd.s32 v20, v7  }
0x43: {  	v33 =	vld [tilespmem:s31+$0x0];
	v28 =	vadd.s32 $0xFFFFBA00, v4;
	v19 =	vsel vm5, $0x1, v0  }
0x44: {  	s21 =	simm.s32 $0xC0;
	v31 =	vadd.s32 $0xFFFFBA00, v8;
	v17 =	vld [tilespmem:s31+$0xFFFFFFF0];
	(xrf0) =	vadd.scan.msk.s32 $0xffff, v19;
	v21 =	vadd.s32 v7, v21;
	v26 =	vadd.s32 $0xFFFFFFFF, v6;
	v7, _, _ =	vpop (xrf0)  }
0x45: {  	v4 =	vld [tilespmem:s21+$0xFFFFFFD0];
	v32 =	vadd.s32 $0xFFFFBA00, v12;
	v3 =	vadd.s32 v3, v0;
	v29 =	vadd.s32 $0xFFFFFFFF, v20;
	v20, _, _ =	vpop (xrf0)  }
0x46: {  	v13 =	vadd.s32 $0xFFFFBA00, v13;
	vm3 =	vmmov vm3;
	v24 =	vadd.s32 $0xFFFFFFFF, v3;
	v3 =	vld [tilespmem:s21+$0x30];
	v6, _, _ =	vpop (xrf0)  }
0x47: {  	vm11 =	vmmov vm6;
	vm9 =	vmmov vm2;
	vm10 =	vmmov vm7;
	v19 =	vld [tilespmem:s31+$0xFFFFFFE0];
	v27, _, _ =	vpop (xrf0)  }
0x48: {  	v18 =	vadd.s32 v7, v18;
	v7 =	vld [tilespmem:s21+$0xFFFFFFC0];
	v16 =	vadd.s32 v6, v16;
	v9 =	vadd.s32 v27, v9  }
0x49: {  	v20 =	vadd.s32 v20, v14;
	[tilespmem:v26+s13+$0x0] =	vst.idx.msk vm1, v17;
	v16 =	vadd.s32 $0xFFFFFFFF, v16;
	v30 =	vadd.s32 $0xFFFFFFFF, v9;
	v9 =	vld [tilespmem:s21+$0xFFFFFFF0]  }
0x4a: {  	v18 =	vadd.s32 $0xFFFFFFFF, v18;
	v6 =	vld [tilespmem:s21+$0xFFFFFFE0];
	v17 =	vadd.s32 $0xFFFFBA00, v10;
	v27, _, _ =	vpop (xrf0);
	[tilespmem:v29+s13+$0x0] =	vst.idx.msk vm2, v25;
	v25 =	vadd.s32 $0xFFFFBA00, v15  }
0x4b: {  	v14 =	vld [tilespmem:s31+$0x20];
	[tilespmem:v26+s14+$0x0] =	vst.idx.msk vm1, v28;
	vm1 =	vgt.s32 v3, $0x45FF;
	vm2 =	vgt.s32 v4, $0x45FF;
	v22 =	vadd.s32 v27, v22  }
0x4c: {  	[tilespmem:v24+s13+$0x0] =	vst.idx.msk vm3, v23;
	v27 =	vadd.s32 $0xFFFFBA00, v5;
	v5 =	vld [tilespmem:s21+$0x10];
	v15 =	vmpcnt.ones.xlane vm2;
	v23 =	vsel vm1, $0x1, v0  }
0x4d: {  	v10 =	vld [tilespmem:s21+$0x0];
	v28 =	vsel vm2, $0x1, v0;
	v22 =	vadd.s32 $0xFFFFFFFF, v22;
	vm6 =	vgt.s32 v7, $0x45FF;
	[tilespmem:v24+s14+$0x0] =	vst.idx.msk vm3, v27  }
0x4e: {  	v8 =	vmpcnt.ones.xlane vm6;
	v12 =	vsel vm6, $0x1, v0;
	[tilespmem:v16+s13+$0x0] =	vst.idx.msk vm11, v19;
	vm3 =	vgt.s32 v9, $0x45FF  }
0x4f: {  	vm7 =	vgt.s32 v6, $0x45FF;
	(xrf0) =	vadd.scan.msk.s32 $0xffff, v12;
	v12 =	vld [tilespmem:s21+$0x20];
	[tilespmem:v30+s13+$0x0] =	vst.idx.msk vm4, v33;
	v24 =	vsel vm3, $0x1, v0  }
0x50: {  	v8 =	vadd.s32 v21, v8;
	v19 =	vmpcnt.ones.xlane vm7;
	[tilespmem:v16+s14+$0x0] =	vst.idx.msk vm11, v17;
	(xrf0) =	vadd.scan.msk.s32 $0xffff, v24  }
0x51: {  	vm8 =	vgt.s32 v5, $0x45FF;
	v15 =	vadd.s32 v8, v15;
	[tilespmem:v30+s14+$0x0] =	vst.idx.msk vm4, v13;
	(xrf0) =	vadd.scan.msk.s32 $0xffff, v23  }
0x52: {  	[tilespmem:v22+s13+$0x0] =	vst.idx.msk vm5, v14;
	v14 =	vmpcnt.ones.xlane vm3;
	vm4 =	vgt.s32 v10, $0x45FF;
	v16 =	vmpcnt.ones.xlane vm8  }
0x53: {  	v26 =	vsel vm8, $0x1, v0;
	v63 =	vadd.s32 v15, v19;
	[tilespmem:v22+s14+$0x0] =	vst.idx.msk vm5, v25;
	v23 =	vmpcnt.ones.xlane vm4  }
0x54: {  	v30 =	vld [tilespmem:s31+$0x10];
	v22 =	vsel vm4, $0x1, v0;
	v19 =	vadd.s32 v63, v14;
	vm5 =	vgt.s32 v12, $0x45FF;
	(xrf0) =	vadd.scan.msk.s32 $0xffff, v26  }
0x55: {  	s21 =	simm.s32 $0x2540;
	v24 =	vsel vm7, $0x1, v0;
	v34, _, _ =	vpop (xrf0);
	v26 =	vmpcnt.ones.xlane vm5;
	(xrf0) =	vadd.scan.msk.s32 $0xffff, v28;
	v35 =	vadd.s32 v19, v23  }
0x56: {  	vm0 =	vmmov vm0;
	v17 =	vld [tilespmem:s21+$0xFFFFFFE0];
	(xrf0) =	vadd.scan.msk.s32 $0xffff, v24;
	v23 =	vadd.s32 v35, v16;
	v16, _, _ =	vpop (xrf0)  }
0x57: {  	v27 =	vmpcnt.ones.xlane vm1;
	v13 =	vld [tilespmem:s21+$0xFFFFFFF0];
	(xrf0) =	vadd.scan.msk.s32 $0xffff, v22;
	v28 =	vadd.s32 v16, v63;
	v16 =	vadd.s32 v23, v26;
	v22, _, _ =	vpop (xrf0)  }
0x58: {  	v25 =	vadd.s32 $0xFFFFFFFF, v20;
	v20 =	vld [tilespmem:s21+$0xFFFFFFC0];
	v36 =	vsel vm5, $0x1, v0;
	v22 =	vadd.s32 v22, v16  }
0x59: {  	v24 =	vld [tilespmem:s31+$0xFFFFFFD0];
	[tilespmem:v18+s13+$0x0] =	vst.idx.msk vm10, v30;
	(xrf0) =	vadd.scan.msk.s32 $0xffff, v36  }
0x5a: {  	v14 =	vld [tilespmem:s21+$0x0];
	[tilespmem:v18+s14+$0x0] =	vst.idx.msk vm10, v32;
	v26 =	vadd.s32 $0xFFFFBA00, v11;
	v11 =	vadd.s32 v34, v21;
	v16 =	vadd.s32 v16, v27;
	v18, _, _ =	vpop (xrf0)  }
0x5b: {  	s22 =	simm.s32 $0x8;
	s23 =	simm.s32 $0x140;
	s20 =	simm.s32 $0x2540;
	[tilespmem:v29+s14+$0x0] =	vst.idx.msk vm9, v31;
	v21 =	vadd.s32 $0xFFFFFFFF, v11;
	v27 =	vld [tilespmem:s21+$0x30];
	v18 =	vadd.s32 v18, v35;
	v11 =	vadd.s32 $0xFFFFFFFF, v22;
	v22, _, _ =	vpop (xrf0)  }
.LBB2_2:
0x5c: {  	v28 =	vadd.s32 $0xFFFFFFFF, v28;
	v30, _, _ =	vpop (xrf0);
	vm12 =	vmmov vm6  }
0x5d: {  	v29 =	vld [tilespmem:s23+$0xFFFFFFC0];
	s22 =	sadd.s32 $0x8, s22;
	v31 =	vmovc v4;
	vm11 =	vmmov vm7;
	vm9 =	vmmov vm1;
	vm10 =	vmmov vm8  }
0x5e: {  	v32 =	vld [tilespmem:s23+$0x30];
	p1 =	slt.u32 s22, $0x240;
	v4 =	vadd.s32 v30, v15;
	v15, _, _ =	vpop (xrf0);
	[tilespmem:v25+s13+$0x0] =	vst.idx.msk vm0, v24  }
0x5f: {  	v33 =	vadd.s32 $0xFFFFBA00, v9;
	v24 =	vld [tilespmem:s23+$0xFFFFFFE0];
	v30 =	vadd.s32 $0xFFFFFFFF, v4;
	v9 =	vadd.s32 v15, v19;
	v15, _, _ =	vpop (xrf0);
	[tilespmem:v25+s14+$0x0] =	vst.idx.msk vm0, v26  }
0x60: {  	vm0 =	vmmov vm2;
	v4 =	vld [tilespmem:s23+$0xFFFFFFD0];
	v19 =	vadd.s32 $0xFFFFFFFF, v9;
	v15 =	vadd.s32 v15, v23  }
0x61: {  	v34 =	vadd.s32 $0xFFFFBA00, v3;
	v23 =	vadd.s32 $0xFFFFBA00, v7;
	v9 =	vld [tilespmem:s23+$0xFFFFFFF0];
	v25 =	vadd.s32 $0xFFFFFFFF, v15;
	[tilespmem:v11+s13+$0x0] =	vst.idx.msk vm1, v27  }
0x62: {  	s21 =	sadd.s32 $0x80, s21;
	v26 =	vadd.s32 $0xFFFFBA00, v12;
	v27 =	vadd.s32 $0xFFFFBA00, v5;
	vm6 =	vgt.s32 v29, $0x45FF;
	[tilespmem:v28+s13+$0x0] =	vst.idx.msk vm3, v13;
	v5 =	vld [tilespmem:s23+$0x10];
	v7 =	vmovc v29  }
0x63: {  	v29 =	vadd.s32 $0xFFFFBA00, v6;
	v12 =	vmpcnt.ones.xlane vm6;
	v13 =	vld [tilespmem:s21+$0xFFFFFFF0];
	[tilespmem:v28+s14+$0x0] =	vst.idx.msk vm3, v33;
	v28 =	vadd.s32 $0xFFFFBA00, v10;
	v3 =	vmovc v32  }
0x64: {  	vm7 =	vgt.s32 v24, $0x45FF;
	vm1 =	vgt.s32 v3, $0x45FF;
	[tilespmem:v21+s13+$0x0] =	vst.idx.msk vm12, v20;
	v20 =	vadd.s32 v22, v8;
	v6 =	vmovc v24  }
0x65: {  	v15 =	vsel vm6, $0x1, v0;
	v8 =	vadd.s32 v16, v12;
	vm2 =	vgt.s32 v4, $0x45FF;
	[tilespmem:v21+s14+$0x0] =	vst.idx.msk vm12, v23;
	v21 =	vld [tilespmem:s20+$0x20]  }
0x66: {  	v22 =	vsel vm1, $0x1, v0;
	v12 =	vmpcnt.ones.xlane vm2;
	vm3 =	vgt.s32 v9, $0x45FF;
	v10 =	vld [tilespmem:s23+$0x0];
	[tilespmem:v30+s13+$0x0] =	vst.idx.msk vm11, v17  }
0x67: {  	v17 =	vmpcnt.ones.xlane vm7;
	v23 =	vsel vm3, $0x1, v0;
	vm8 =	vgt.s32 v5, $0x45FF;
	(xrf0) =	vadd.scan.msk.s32 $0xffff, v15  }
0x68: {  	v32 =	vmpcnt.ones.xlane vm1;
	v15 =	vadd.s32 v8, v12;
	v24 =	vsel vm8, $0x1, v0;
	v12 =	vld [tilespmem:s23+$0x20];
	[tilespmem:v19+s13+$0x0] =	vst.idx.msk vm4, v14  }
0x69: {  	v14 =	vsel vm2, $0x1, v0;
	v33 =	vadd.s32 v15, v17;
	(xrf0) =	vadd.scan.msk.s32 $0xffff, v23;
	[tilespmem:v19+s14+$0x0] =	vst.idx.msk vm4, v28  }
0x6a: {  	v18 =	vadd.s32 $0xFFFFFFFF, v18;
	v17 =	vsel vm7, $0x1, v0;
	(xrf0) =	vadd.scan.msk.s32 $0xffff, v22;
	v22 =	vld [tilespmem:s20+$0x10];
	[tilespmem:v25+s13+$0x0] =	vst.idx.msk vm5, v21  }
0x6b: {  	v19 =	vmpcnt.ones.xlane vm3;
	vm4 =	vgt.s32 v10, $0x45FF;
	(xrf0) =	vadd.scan.msk.s32 $0xffff, v24;
	[tilespmem:v25+s14+$0x0] =	vst.idx.msk vm5, v26  }
0x6c: {  	v21 =	vsel vm4, $0x1, v0;
	v23 =	vmpcnt.ones.xlane vm4;
	(xrf0) =	vadd.scan.msk.s32 $0xffff, v14;
	[tilespmem:v30+s14+$0x0] =	vst.idx.msk vm11, v29  }
0x6d: {  	v19 =	vadd.s32 v33, v19;
	v25 =	vmpcnt.ones.xlane vm8;
	vm5 =	vgt.s32 v12, $0x45FF;
	v29, _, _ =	vpop (xrf0);
	(xrf0) =	vadd.scan.msk.s32 $0xffff, v17;
	v24 =	vld [tilespmem:s20+$0xFFFFFFD0];
	s20 =	smov.u32 s21  }
.Ltmp2:
0x6e: {  	v30 =	vadd.s32 v19, v23;
	v17 =	vsel vm5, $0x1, v0;
	v26 =	vmpcnt.ones.xlane vm5;
	(xrf0) =	vadd.scan.msk.s32 $0xffff, v21;
	(pc) =	sbr.rel @p1 .LBB2_2-.Ltmp2, $4  }
0x6f: {  	v14 =	vld [tilespmem:s21+$0x0];
	v23 =	vadd.s32 v30, v25;
	v21, _, _ =	vpop (xrf0);
	(xrf0) =	vadd.scan.msk.s32 $0xffff, v17;
	v25 =	vadd.s32 $0xFFFFFFFF, v20;
	[tilespmem:v18+s13+$0x0] =	vst.idx.msk vm10, v22  }
0x70: {  	v17 =	vld [tilespmem:s21+$0xFFFFFFE0];
	v28 =	vadd.s32 v21, v33;
	v21 =	vadd.s32 v23, v26;
	v22, _, _ =	vpop (xrf0);
	v26 =	vadd.s32 $0xFFFFBA00, v31;
	[tilespmem:v18+s14+$0x0] =	vst.idx.msk vm10, v27  }
0x71: {  	v18 =	vadd.s32 v29, v16;
	v20 =	vld [tilespmem:s21+$0xFFFFFFC0];
	v29 =	vadd.s32 v22, v21;
	v16 =	vadd.s32 v21, v32;
	v22, _, _ =	vpop (xrf0)  }
0x72: {  	s23 =	sadd.s32 $0x80, s23;
	v21 =	vadd.s32 $0xFFFFFFFF, v18;
	v18 =	vadd.s32 v22, v30;
	v27 =	vld [tilespmem:s21+$0x30];
	v22, _, _ =	vpop (xrf0);
	[tilespmem:v11+s14+$0x0] =	vst.idx.msk vm9, v34;
	v11 =	vadd.s32 $0xFFFFFFFF, v29  }
0x73: {  	v16 =	vxor.u32 $0x80000000, v16  }
0x74: {  	(xrf0) =	vmax.scan.msk.u32 $0xffff, v16;
	_ =	sdelay $0x2  }
0x75: {  	v53, _, _ =	vpop (xrf0)  }
0x76: {  	v29, _, _ =	vpop (xrf0)  }
0x77: {  	v30, _, _ =	vpop (xrf0)  }
0x78: {  	v31, _, _ =	vpop (xrf0)  }
0x79: {  	(v2sf) =	vpush v31, $0xF;
	_ =	sdelay $0x9  }
0x7a: {  	v28 =	vadd.s32 $0xFFFFFFFF, v28  }
0x7b: {  	v59 =	vld [tilespmem:s20+$0x10];
	v60 =	vadd.s32 $0xFFFFFFFF, v18  }
0x7c: {  	vm9 =	vmmov vm6;
	[tilespmem:v25+s13+$0x0] =	vst.idx.msk vm0, v24  }
0x7d: {  	[tilespmem:v25+s14+$0x0] =	vst.idx.msk vm0, v26  }
0x7e: {  	vm15 =	vmmov vm1;
	[tilespmem:v11+s13+$0x0] =	vst.idx.msk vm1, v27  }
0x7f: {  	vm2 =	vmmov vm2;
	v8 =	vadd.s32 v22, v8;
	[tilespmem:v28+s13+$0x0] =	vst.idx.msk vm3, v13;
	s21 =	spop (v2sf)  }
0x80: {  	v9 =	vadd.s32 $0xFFFFBA00, v9;
	v62 =	vld [tilespmem:s20+$0xFFFFFFD0];
	v63 =	vadd.s32 $0xFFFFFFFF, v8;
	[tilespmem:v60+s13+$0x0] =	vst.idx.msk vm8, v59;
	s22 =	sadd.s32 $0x8000007F, s21  }
0x81: {  	v15 =	vadd.s32 v53, v15;
	[tilespmem:v28+s14+$0x0] =	vst.idx.msk vm3, v9;
	s23 =	sand.u32 $0x7F, s22  }
0x82: {  	v5 =	vadd.s32 $0xFFFFBA00, v5;
	v15 =	vadd.s32 $0xFFFFFFFF, v15;
	[tilespmem:v21+s13+$0x0] =	vst.idx.msk vm9, v20;
	s30 =	sshra.s32 s22, $0x1F;
	p2 =	slt.s32 s22, $0x1;
	p1 =	sne.s32 s23, $0x0  }
0x83: {  	v3 =	vadd.s32 $0xFFFFBA00, v3;
	v54 =	vadd.s32 v29, v19;
	[tilespmem:v60+s14+$0x0] =	vst.idx.msk vm8, v5;
	s31 =	sshrl.u32 s30, $0x19;
	p1 =	por !p2, !p1  }
0x84: {  	v57 =	vld [tilespmem:s20+$0x20];
	v16 =	vadd.s32 $0xFFFFFFFF, v54;
	[tilespmem:v11+s14+$0x0] =	vst.idx.msk vm15, v3;
	s20 =	sadd.s32 s31, s22;
	s22 =	simm.s32 $0x1;
	p1 =	por !p1, !p1  }
0x85: {  	v7 =	vadd.s32 $0xFFFFBA00, v7;
	[tilespmem:v63+s13+$0x0] =	vst.idx.msk vm2, v62;
	s20 =	sshrl.u32 s20, $0x7;
	s22 =	simm.s32 @!p1 $0x0  }
0x86: {  	v55 =	vadd.s32 v30, v23;
	[tilespmem:v21+s14+$0x0] =	vst.idx.msk vm9, v7;
	s20 =	ssub.s32 s20, s22  }
0x87: {  	v56 =	vadd.s32 $0xFFFFFFFF, v55;
	v3 =	vadd.s32 $0xFFFFBA00, v4;
	[tilespmem:v15+s13+$0x0] =	vst.idx.msk vm7, v17;
	s21 =	sxor.u32 $0x80000000, s21;
	s20 =	sshll.u32 s20, $0x7  }
0x88: {  	[tilespmem:v63+s14+$0x0] =	vst.idx.msk vm2, v3;
	p1 =	sge.s32 s21, s20  }
.Ltmp3:
0x89: {  	v6 =	vadd.s32 $0xFFFFBA00, v6;
	[tilespmem:v16+s13+$0x0] =	vst.idx.msk vm4, v14;
	(pc) =	sbr.rel @p1 .LBB2_11-.Ltmp3, $4  }
0x8a: {  	v58 =	vadd.s32 $0xFFFFBA00, v10;
	[tilespmem:v15+s14+$0x0] =	vst.idx.msk vm7, v6  }
0x8b: {  	[tilespmem:v16+s14+$0x0] =	vst.idx.msk vm4, v58  }
0x8c: {  	v61 =	vadd.s32 $0xFFFFBA00, v12;
	[tilespmem:v56+s13+$0x0] =	vst.idx.msk vm5, v57  }
0x8d: {  	vm13 =	vmmov vm7;
	vm14 =	vmmov vm8;
	[tilespmem:v56+s14+$0x0] =	vst.idx.msk vm5, v61  }
0x8e: {  	s22 =	sadd.s32 $0x10, s21  }
0x8f: {  	p2 =	slt.s32 s22, s20  }
.Ltmp4:
0x90: {  	_ = 	snop;
	(pc) =	sbr.rel @!p2 .LBB2_5-.Ltmp4, $3  }
0x91: {  	v3 =	vadd.s32 s21, v1;
	_ =	sdelay $0x1  }
0x92: {  	v4 =	vmov s20  }
0x93: {  	p1 =	por $0x0, $0x0;
	vm2 =	vlt.s32 v3, v4  }
0x94: {  	s21 =	sadd.s32 $0x10, s22  }
0x95: {  	p2 =	slt.s32 s21, s20  }
.Ltmp5:
0x96: {  	vm0 =	vmmov vm2;
	(pc) =	sbr.rel @!p2 .LBB2_7-.Ltmp5, $3  }
0x97: {  	_ =	sdelay $0x1  }
0x98: {  	v5 =	vadd.s32 s22, v1  }
0x99: {  	[tilespmem:v3+s13+$0x0] =	vst.idx.msk vm2, v0;
	p1 =	por $0x1, $0x1;
	vm1 =	vlt.s32 v5, v4  }
.LBB2_8:
0x9a: {  	s22 =	smov.u32 s21;
	s21 =	sadd.s32 $0x10, s21  }
0x9b: {  	[tilespmem:v3+s14+$0x0] =	vst.idx.msk vm0, v2;
	v3 =	vmov v5;
	vm0 =	vmmov vm1;
	p2 =	slt.s32 s21, s20  }
.Ltmp6:
0x9c: {  	(pc) =	sbr.rel @p2 .LBB2_8-.Ltmp6, $3  }
0x9d: {  	_ =	sdelay $0x1  }
0x9e: {  	v5 =	vadd.s32 s22, v1  }
0x9f: {  	[tilespmem:v3+s13+$0x0] =	vst.idx.msk vm1, v0;
	vm1 =	vlt.s32 v5, v4  }
0xa0: {  	v4 =	vmov v3;
	v3 =	vmov v5;
	vm2 =	vmmov vm1  }
.LBB2_10:
0xa1: {  	_ =	sdelay $0x4  }
0xa2: {  	[tilespmem:v4+s14+$0x0] =	vst.idx.msk @p1 vm0, v2  }
0xa3: {  	[tilespmem:v3+s13+$0x0] =	vst.idx.msk vm2, v0  }
0xa4: {  	vm1 =	vmmov vm2;
	[tilespmem:v3+s14+$0x0] =	vst.idx.msk vm2, v2  }
.LBB2_11:
0xa5: {  	s22 =	sshra.s32 s20, $0x7  }
0xa6: {  	p1 =	slt.s32 s22, $0x1  }
.Ltmp7:
0xa7: {  	_ = 	snop;
	(pc) =	sbr.rel @p1 .LBB2_15-.Ltmp7, $1  }
0xa8: {  	_ =	sdelay $0x3  }
0xa9: {  	s20 =	simm.s32 $0x4900  }
0xaa: {  	[tilespmem:s17], [sflag:$0x1] =	stream.indirect.gather [hbm4b:s3+s16], $0x30, s20, s16, $0xb8;
	[tilespmem:$0xBC30] =	vst v63  }
0xab: {  	p1 =	sne.s32 s22, $0x1;
	_ =	swait.ge [sflag:s15], $0x1800  }
.Ltmp8:
0xac: {  	[sflag:s15] =	ssyncset.done $0x0;
	(pc) =	sbr.rel @!p1 .LBB2_14-.Ltmp8, $4  }
0xad: {  	s21 =	simm.s32 $0x6D80;
	[sflag:s15] =	ssyncadd.s32 $0xFFFFE800  }
0xae: {  	[spmem:s1] =	stream.indirect.scatter.add.f32 [tilespmem:s17], [sflag:$0x2], $0x30, s21, s16, $0xb8;
	[tilespmem:$0xBC30] =	vst v63  }
0xaf: {  	_ =	swait.ge [sflag:s10], $0x1800  }
0xb0: {  	s22 =	sadd.s32 $0xFFFFFFFF, s22;
	[sflag:s10] =	ssyncset.done $0x0  }
.LBB2_13:
0xb1: {  	[sflag:s10] =	ssyncadd.s32 $0xFFFFE800;
	s20 =	sadd.s32 $0x80, s20;
	s21 =	sadd.s32 $0x80, s21  }
0xb2: {  	[tilespmem:s17], [sflag:$0x1] =	stream.indirect.gather [hbm4b:s3+s16], $0x30, s20, s16, $0xb8;
	[tilespmem:$0xBC30] =	vst v63  }
0xb3: {  	p1 =	sne.s32 s22, $0x1;
	s22 =	sadd.s32 $0xFFFFFFFF, s22;
	_ =	swait.ge [sflag:s15], $0x1800  }
.Ltmp9:
0xb4: {  	[sflag:s15] =	ssyncset.done $0x0;
	(pc) =	sbr.rel @p1 .LBB2_13-.Ltmp9, $4  }
0xb5: {  	[sflag:s15] =	ssyncadd.s32 $0xFFFFE800  }
0xb6: {  	[spmem:s1] =	stream.indirect.scatter.add.f32 [tilespmem:s17], [sflag:$0x2], $0x30, s21, s16, $0xb8;
	[tilespmem:$0xBC30] =	vst v63  }
0xb7: {  	_ =	swait.ge [sflag:s10], $0x1800  }
0xb8: {  	[sflag:s10] =	ssyncset.done $0x0  }
.Ltmp10:
0xb9: {  	_ = 	snop;
	(pc) =	sbr.rel .LBB2_14-.Ltmp10, $1  }
0xba: {  	_ =	sdelay $0x3  }
.LBB2_5:
.Ltmp11:
0xbb: {  	(pc) =	sbr.rel .LBB2_10-.Ltmp11, $2  }
0xbc: {  	_ =	sdelay $0x2  }
0xbd: {  	_ = 	snop  }
.LBB2_7:
.Ltmp12:
0xbe: {  	(pc) =	sbr.rel .LBB2_10-.Ltmp12, $2  }
0xbf: {  	_ =	sdelay $0x2  }
0xc0: {  	v4 =	vmov v3;
	v3 =	vmov v5;
	vm2 =	vmmov vm1  }
.LBB2_16:
0xc1: {  	_ =	sfence.sel $0x180000  }
0xc2: {  	[bflag:$0x0] =	sbarrier.arrive $0xFFFF  }
0xc3: {  	_ =	strace $0x90000047  }
0xc4: {  	s0 =	sadd.s32 @!p0 $0x100000, s0;
	[bflag:$0x2] =	sbarrier.arrive $0xFFFF  }
0xc5: {  	[sflag:s0] =	ssyncadd.tile.s32 @!p0 $0x1;
	_ =	shalt  }
.Lfunc_end2:
_tile_overlayer_lowered:
.L_overlay_start_2:
0xc6: {  	(tag) =	ssettag $0x2  }
0xc7: {  	s0 =	rddreg [dreg:$0x0];
	s2 =	stileid.u32  }
0xc8: {  	s1 =	rddreg [dreg:$0x1];
	p0 =	sne.s32 s2, $0x0  }
0xc9: {  	s3 =	rddreg [dreg:$0x2];
	[bflag:$0x3] =	sbarrier.arrive $0xFFFF;
	s2 =	simm.s32 @!p0 $0x1C02  }
0xca: {  	[timem:s3], [sflag:s2] =	dma.local @!p0 [hbm:s0], s1  }
0xcb: {  	s0 =	simm.s32 @!p0 $0x2  }
0xcc: {  	_ =	swait.ge @!p0 [sflag:s0], s1  }
0xcd: {  	s1 =	ssub.s32 @!p0 $0x0, s1;
	[sflag:s0] =	ssyncset.done @!p0 $0x0  }
0xce: {  	[sflag:s0] =	ssyncadd.s32 @!p0 s1  }
0xcf: {  	[bflag:$0x3] =	sbarrier.arrive $0xFFFF  }
0xd0: {  	_ =	shalt  }

</sc_bundles>
